<compile_context>
chip_gen: v7x
topology: tpu7x:2x2x1
jax: 0.10.2.dev20260603
libtpu: 0.0.44.dev20260713+nightly
codegen_flags: <defaults>
</compile_context>

<pallas_src>
import functools

import jax
import jax.numpy as jnp
from jax import lax
from jax.experimental import pallas as pl
from jax.experimental.pallas import tpu as pltpu
from jax.experimental.pallas import tpu_sc as plsc

N_PTS = 16384
D_IN = 64
D_OUT = 128
NSAMPLE = 16
STRIDE = 4
M = N_PTS // STRIDE
PR = 128
PC = 128
CB = 64
N_ROWS = M * NSAMPLE
TBL_D = 128

_BIG_I32 = 1 << 30
_INF = float("inf")


def _fps_kernel(px_ref, py_ref, pz_ref, pxc_ref, pyc_ref, pzc_ref,
                idx_ref, npx_ref, npy_ref, npz_ref, dists_ref):
    px = px_ref[:, :]
    py = py_ref[:, :]
    pz = pz_ref[:, :]
    rows = lax.broadcasted_iota(jnp.int32, (PR, PC), 0)
    cols = lax.broadcasted_iota(jnp.int32, (PR, PC), 1)
    fidx = rows * PC + cols
    orow = lax.broadcasted_iota(jnp.int32, (M // 128, 128), 0)
    ocol = lax.broadcasted_iota(jnp.int32, (M // 128, 128), 1)

    def write(i, idxv, vx, vy, vz):
        wm = (orow == i // 128) & (ocol == i % 128)
        idx_ref[:, :] = jnp.where(wm, idxv, idx_ref[:, :])
        npx_ref[:, :] = jnp.where(wm, vx, npx_ref[:, :])
        npy_ref[:, :] = jnp.where(wm, vy, npy_ref[:, :])
        npz_ref[:, :] = jnp.where(wm, vz, npz_ref[:, :])

    qx = pxc_ref[0, 0]
    qy = pyc_ref[0, 0]
    qz = pzc_ref[0, 0]
    write(jnp.int32(0), jnp.int32(0), qx, qy, qz)
    dists_ref[:, :] = jnp.full((PR, PC), _INF, dtype=jnp.float32)

    def body(i, carry):
        cx, cy, cz = carry
        dx = px - cx
        dy = py - cy
        dz = pz - cz
        d = (dx * dx + dz * dz) + dy * dy
        nd = jnp.minimum(dists_ref[:, :], d)
        dists_ref[:, :] = nd
        mval = jnp.max(nd)
        nxt = jnp.min(jnp.where(nd == mval, fidx, _BIG_I32))
        nqx = pxc_ref[nxt, 0]
        nqy = pyc_ref[nxt, 0]
        nqz = pzc_ref[nxt, 0]
        write(i, nxt, nqx, nqy, nqz)
        return (nqx, nqy, nqz)

    lax.fori_loop(1, M, body, (qx, qy, qz))


def _fps_call(px, py, pz, pxc, pyc, pzc):
    return pl.pallas_call(
        _fps_kernel,
        out_shape=[
            jax.ShapeDtypeStruct((M // 128, 128), jnp.int32),
            jax.ShapeDtypeStruct((M // 128, 128), jnp.float32),
            jax.ShapeDtypeStruct((M // 128, 128), jnp.float32),
            jax.ShapeDtypeStruct((M // 128, 128), jnp.float32),
        ],
        scratch_shapes=[pltpu.VMEM((PR, PC), jnp.float32)],
    )(px, py, pz, pxc, pyc, pzc)


def _topk_kernel(pxr_ref, pyr_ref, pzr_ref, ncx_ref, ncy_ref, ncz_ref,
                 knn_ref):
    px = pxr_ref[:, :]
    py = pyr_ref[:, :]
    pz = pzr_ref[:, :]
    pn2 = px * px + py * py + pz * pz
    def r(v):
        return v.astype(jnp.bfloat16).astype(jnp.float32)
    dot = (r(px) * r(ncx_ref[:, :]) + r(py) * r(ncy_ref[:, :])
           + r(pz) * r(ncz_ref[:, :]))
    dt = pn2 - 2.0 * dot
    fid = lax.broadcasted_iota(jnp.int32, (CB, N_PTS), 1)
    for it in range(NSAMPLE):
        mval = jnp.min(dt, axis=1, keepdims=True)
        cand = jnp.where(dt == mval, fid, _BIG_I32)
        sidx = jnp.min(cand, axis=1, keepdims=True)
        knn_ref[:, it:it + 1] = sidx
        dt = jnp.where(fid == sidx, _INF, dt)


def _topk_call(pxr, pyr, pzr, ncx, ncy, ncz):
    full = pl.BlockSpec((1, N_PTS), lambda i: (0, 0))
    return pl.pallas_call(
        _topk_kernel,
        grid=(M // CB,),
        in_specs=[
            full, full, full,
            pl.BlockSpec((CB, 1), lambda i: (i, 0)),
            pl.BlockSpec((CB, 1), lambda i: (i, 0)),
            pl.BlockSpec((CB, 1), lambda i: (i, 0)),
        ],
        out_specs=pl.BlockSpec((CB, NSAMPLE), lambda i: (i, 0)),
        out_shape=jax.ShapeDtypeStruct((M, NSAMPLE), jnp.int32),
    )(pxr, pyr, pzr, ncx, ncy, ncz)


_SC_NC = 2
_SC_NS = 16
_SC_NW = _SC_NC * _SC_NS
_ROWS_PER_W = N_ROWS // _SC_NW
_CHUNK = 128
_N_CHUNKS = _ROWS_PER_W // _CHUNK


def _gather_sc(flat_idx, table):
    mesh = plsc.VectorSubcoreMesh(core_axis_name="c", subcore_axis_name="s")

    @functools.partial(
        pl.kernel,
        mesh=mesh,
        out_type=jax.ShapeDtypeStruct((N_ROWS, TBL_D), jnp.float32),
        scratch_types=[
            pltpu.VMEM((_CHUNK,), jnp.int32),
            pltpu.VMEM((_CHUNK, TBL_D), jnp.float32),
            pltpu.SemaphoreType.DMA,
        ],
    )
    def gk(idx_hbm, tbl_hbm, out_hbm, idx_v, rows_v, sem):
        wid = lax.axis_index("s") * _SC_NC + lax.axis_index("c")

        def body(c, carry):
            base = wid * _ROWS_PER_W + c * _CHUNK
            pltpu.sync_copy(idx_hbm.at[pl.ds(base, _CHUNK)], idx_v)
            pltpu.async_copy(tbl_hbm.at[idx_v], rows_v, sem).wait()
            pltpu.sync_copy(rows_v, out_hbm.at[pl.ds(base, _CHUNK)])
            return carry

        lax.fori_loop(0, _N_CHUNKS, body, jnp.int32(0))

    return gk(flat_idx, table)


_PB = 128


def _pool_kernel(g_ref, ncx_ref, ncy_ref, ncz_ref, w_ref, b_ref, h_ref):
    ncx = ncx_ref[:, :][:, None, :]
    ncy = ncy_ref[:, :][:, None, :]
    ncz = ncz_ref[:, :][:, None, :]
    px = g_ref[:, :, D_IN:D_IN + 1] - ncx
    py = g_ref[:, :, D_IN + 1:D_IN + 2] - ncy
    pz = g_ref[:, :, D_IN + 2:D_IN + 3] - ncz
    nrm2 = px * px + py * py + pz * pz
    den = jnp.sqrt(jnp.max(nrm2, axis=1, keepdims=True)) + 1e-8
    ppx = jnp.max(px, axis=1, keepdims=True) / den
    ppy = jnp.max(py, axis=1, keepdims=True) / den
    ppz = jnp.max(pz, axis=1, keepdims=True) / den
    pooled_x = jnp.max(g_ref[:, :, 0:D_IN], axis=1)
    pooled = jnp.concatenate(
        [ppx[:, 0, :], ppy[:, 0, :], ppz[:, 0, :], pooled_x], axis=1)
    h = jnp.dot(pooled, w_ref[:, :], preferred_element_type=jnp.float32)
    h_ref[:, :] = h + b_ref[:, :]


def _pool_call(g, ncx, ncy, ncz, w, b):
    return pl.pallas_call(
        _pool_kernel,
        grid=(M // _PB,),
        in_specs=[
            pl.BlockSpec((_PB, NSAMPLE, TBL_D), lambda i: (i, 0, 0)),
            pl.BlockSpec((_PB, 1), lambda i: (i, 0)),
            pl.BlockSpec((_PB, 1), lambda i: (i, 0)),
            pl.BlockSpec((_PB, 1), lambda i: (i, 0)),
            pl.BlockSpec((D_IN + 3, D_OUT), lambda i: (0, 0)),
            pl.BlockSpec((1, D_OUT), lambda i: (0, 0)),
        ],
        out_specs=pl.BlockSpec((_PB, D_OUT), lambda i: (i, 0)),
        out_shape=jax.ShapeDtypeStruct((M, D_OUT), jnp.float32),
    )(g, ncx, ncy, ncz, w, b)


def _bn_kernel(h_ref, g_ref, be_ref, o_ref):
    h = h_ref[:, :]
    mu = jnp.mean(h, axis=0, keepdims=True)
    var = jnp.mean((h - mu) ** 2, axis=0, keepdims=True)
    o = (h - mu) / jnp.sqrt(var + 1e-5) * g_ref[:, :] + be_ref[:, :]
    o_ref[:, :] = jnp.maximum(o, 0.0)


def _bn_call(h, gamma, beta):
    return pl.pallas_call(
        _bn_kernel,
        out_shape=jax.ShapeDtypeStruct((M, D_OUT), jnp.float32),
    )(h, gamma, beta)


def kernel(p, x, o, W, b, gamma, beta):
    px = p[:, 0].reshape(PR, PC)
    py = p[:, 1].reshape(PR, PC)
    pz = p[:, 2].reshape(PR, PC)

    idx_pl, npx_pl, npy_pl, npz_pl = _fps_call(
        px, py, pz, p[:, 0].reshape(N_PTS, 1), p[:, 1].reshape(N_PTS, 1),
        p[:, 2].reshape(N_PTS, 1))
    ncx = npx_pl.reshape(M, 1)
    ncy = npy_pl.reshape(M, 1)
    ncz = npz_pl.reshape(M, 1)

    knn = _topk_call(p[:, 0].reshape(1, N_PTS), p[:, 1].reshape(1, N_PTS),
                     p[:, 2].reshape(1, N_PTS), ncx, ncy, ncz)
    flat_idx = knn.reshape(N_ROWS)

    table = jnp.concatenate(
        [x, p, jnp.zeros((N_PTS, TBL_D - D_IN - 3), jnp.float32)], axis=1)
    g = _gather_sc(flat_idx, table)

    h = _pool_call(g.reshape(M, NSAMPLE, TBL_D),
                   ncx, ncy, ncz, W, b.reshape(1, D_OUT))
    out = _bn_call(h, gamma.reshape(1, D_OUT), beta.reshape(1, D_OUT))

    n_p = jnp.stack([npx_pl.reshape(M), npy_pl.reshape(M),
                     npz_pl.reshape(M)], axis=1)
    n_o = jnp.array([M], dtype=jnp.int32)
    return (n_p, out, n_o)

# --- scband reference (transcript-rebuilt; emitter-appended) ---
"""Pipeline reference for scband-downsampling-28278064677298 (READ-ONLY COPY).

The authoritative reference and input builder live on the scoring server;
editing this copy changes nothing except your own understanding.
"""

import jax, jax.numpy as jnp
import numpy as np

D_IN = 64
D_OUT = 128
NSAMPLE = 16
STRIDE = 4
N_PTS = 16384


def setup_inputs(seed: int = 0):
    key = jax.random.key(seed)
    k1, k2, k3 = jax.random.split(key, 3)
    p = jax.random.normal(k1, (N_PTS, 3), dtype=jnp.float32)
    x = jax.random.normal(k2, (N_PTS, D_IN), dtype=jnp.float32)
    o = jnp.array([N_PTS], dtype=jnp.int32)  # single-batch offset (must equal N)
    W = jax.random.normal(k3, (D_IN + 3, D_OUT), dtype=jnp.float32) * (1.0 / np.sqrt(D_IN + 3))
    b = jnp.zeros((D_OUT,), dtype=jnp.float32)
    gamma = jnp.ones((D_OUT,), dtype=jnp.float32)
    beta = jnp.zeros((D_OUT,), dtype=jnp.float32)
    return {"p": p, "x": x, "o": o, "W": W, "b": b, "gamma": gamma, "beta": beta}


def _fps(p, m):
    # furthest point sampling, starts at index 0 (pointops convention per batch)
    n = p.shape[0]

    def body(i, state):
        dists, idxs, last = state
        d = jnp.sum((p - p[last]) ** 2, axis=1)
        dists = jnp.minimum(dists, d)
        nxt = jnp.argmax(dists).astype(jnp.int32)
        idxs = idxs.at[i].set(nxt)
        return (dists, idxs, nxt)

    dists0 = jnp.full((n,), jnp.inf, dtype=jnp.float32)
    idxs0 = jnp.zeros((m,), dtype=jnp.int32)
    _, idxs, _ = jax.lax.fori_loop(1, m, body, (dists0, idxs0, jnp.int32(0)))
    return idxs


def reference(p, x, o, W, b, gamma, beta):
    N = p.shape[0]
    m = N // STRIDE
    n_o = jnp.array([m], dtype=jnp.int32)

    # furthestsampling
    samp_idx = _fps(p, m)
    n_p = p[samp_idx]

    # queryandgroup: kNN of sampled centers against all points (single batch)
    d2 = (jnp.sum(n_p ** 2, axis=1, keepdims=True)
          + jnp.sum(p ** 2, axis=1)[None, :]
          - 2.0 * (n_p @ p.T))
    _, knn_idx = jax.lax.top_k(-d2, NSAMPLE)  # [m, nsample]

    pj = p[knn_idx] - n_p[:, None, :]          # relative coords (use_xyz=True)
    xj = x[knn_idx]                            # grouped features [m, ns, d_in]

    # normalize relative coords by max neighbor norm
    norm = jnp.linalg.norm(pj, axis=-1, keepdims=True)          # [m, ns, 1]
    denom = jnp.max(norm, axis=1, keepdims=True) + 1e-8         # [m, 1, 1]
    pj = pj / denom

    pj_xj = jnp.concatenate([pj, xj], axis=-1)  # [m, ns, 3 + d_in]
    pooled = jnp.max(pj_xj, axis=1)             # [m, 3 + d_in]

    # mlp: Linear -> BatchNorm1d (training-mode batch stats) -> ReLU
    h = pooled @ W + b
    mu = jnp.mean(h, axis=0)
    var = jnp.var(h, axis=0)
    h = (h - mu) / jnp.sqrt(var + 1e-5) * gamma + beta
    out = jnp.maximum(h, 0.0)
    return (n_p, out, n_o)

if __name__ == "__main__":
    import jax
    _d = setup_inputs()
    print(jax.jit(kernel)(*tuple(_d.values())))

</pallas_src>

<mosaic_0001>
#map = affine_map<(d0, d1) -> (0)>
#map1 = affine_map<(d0, d1) -> (0, 0)>
module attributes {stable_mosaic.version = 14 : i64} {
  func.func @gk(%arg0: i32, %arg1: i32, %arg2: memref<65536xi32, #tpu.memory_space<hbm>>, %arg3: memref<16384x128xf32, #tpu.memory_space<hbm>>, %arg4: memref<65536x128xf32, #tpu.memory_space<hbm>>, %arg5: memref<128xi32, #tpu.memory_space<vmem>>, %arg6: memref<128x128xf32, #tpu.memory_space<vmem>>, %arg7: memref<!tpu.dma_semaphore, #tpu.memory_space<semaphore_mem>>) attributes {dimension_semantics = [#tpu.dimension_semantics<core_parallel>, #tpu.dimension_semantics<subcore_parallel>], iteration_bounds = array<i64: 2, 16>, scalar_prefetch = 0 : i64, scratch_operands = 3 : i64, tpu.core_type = #tpu.core_type<sc_vector_subcore>, window_params = [{transform_indices = #map}, {transform_indices = #map1}, {transform_indices = #map1}]} {
    %mul3A = arith.constant 2 : i32
    %mul3A_0 = arith.muli %arg1, %mul3A : i32
    %add3A = arith.addi %mul3A_0, %arg0 : i32
    %scan3A = arith.constant 0 : i32
    %scan3A_1 = arith.constant 0 : i32
    %scan3A_2 = arith.constant 16 : i32
    %scan3A_3 = arith.addi %scan3A_1, %scan3A_2 : i32
    %scan3A_4 = arith.constant 1 : i32
    scf.for %scan3A_6 = %scan3A_1 to %scan3A_3 step %scan3A_4  : i32 {
      %mul3A_7 = arith.constant 2048 : i32
      %mul3A_8 = arith.muli %add3A, %mul3A_7 : i32
      %mul3A_9 = arith.constant 128 : i32
      %mul3A_10 = arith.muli %scan3A_6, %mul3A_9 : i32
      %add3A_11 = arith.addi %mul3A_8, %mul3A_10 : i32
      "tpu.region"() ({
        %run_scoped3A = tpu.sem_alloc : memref<!tpu.dma_semaphore, #tpu.memory_space<semaphore_mem>>
        %dma_start3A_16 = tpu.memref_slice %arg2[%add3A_11] : memref<65536xi32, #tpu.memory_space<hbm>> -> memref<128xi32, #tpu.memory_space<hbm>>
        %dma_start3A_17 = tpu.memref_slice %arg2[%add3A_11] : memref<65536xi32, #tpu.memory_space<hbm>> -> memref<128xi32, #tpu.memory_space<hbm>>
        tpu.enqueue_dma source(%dma_start3A_17 : memref<128xi32, #tpu.memory_space<hbm>>) target(%arg5 : memref<128xi32, #tpu.memory_space<vmem>>) target_semaphore(%run_scoped3A : memref<!tpu.dma_semaphore, #tpu.memory_space<semaphore_mem>>)
        %dma_wait3A_18 = tpu.memref_slice %arg2[%add3A_11] : memref<65536xi32, #tpu.memory_space<hbm>> -> memref<128xi32, #tpu.memory_space<hbm>>
        %dma_wait3A_19 = tpu.memref_slice %arg2[%add3A_11] : memref<65536xi32, #tpu.memory_space<hbm>> -> memref<128xi32, #tpu.memory_space<hbm>>
        tpu.wait_dma2 semaphore(%run_scoped3A : memref<!tpu.dma_semaphore, #tpu.memory_space<semaphore_mem>>) src(%dma_wait3A_19 : memref<128xi32, #tpu.memory_space<hbm>>) dst(%arg5 : memref<128xi32, #tpu.memory_space<vmem>>)
        tpu.yield
      }) : () -> ()
      %dma_start3A = arith.constant 0 : i32
      %dma_start3A_12 = arith.constant 0 : i32
      %dma_start3A_13 = tpu.memref_slice %arg3[%dma_start3A, %dma_start3A_12] : memref<16384x128xf32, #tpu.memory_space<hbm>> -> memref<16384x128xf32, #tpu.memory_space<hbm>>
      tpu.enqueue_indirect_dma source(%dma_start3A_13 : memref<16384x128xf32, #tpu.memory_space<hbm>>) target(%arg6 : memref<128x128xf32, #tpu.memory_space<vmem>>) offsets(%arg5 : memref<128xi32, #tpu.memory_space<vmem>>) semaphore(%arg7 : memref<!tpu.dma_semaphore, #tpu.memory_space<semaphore_mem>>)
      %dma_wait3A = arith.constant 0 : i32
      %dma_wait3A_14 = arith.constant 0 : i32
      %dma_wait3A_15 = tpu.memref_slice %arg3[%dma_wait3A, %dma_wait3A_14] : memref<16384x128xf32, #tpu.memory_space<hbm>> -> memref<16384x128xf32, #tpu.memory_space<hbm>>
      tpu.wait_indirect_dma semaphore(%arg7 : memref<!tpu.dma_semaphore, #tpu.memory_space<semaphore_mem>>) src(%dma_wait3A_15 : memref<16384x128xf32, #tpu.memory_space<hbm>>) dst(%arg6 : memref<128x128xf32, #tpu.memory_space<vmem>>)
      "tpu.region"() ({
        %run_scoped3A = tpu.sem_alloc : memref<!tpu.dma_semaphore, #tpu.memory_space<semaphore_mem>>
        %dma_start3A_16 = arith.constant 0 : i32
        %dma_start3A_17 = tpu.memref_slice %arg4[%add3A_11, %dma_start3A_16] : memref<65536x128xf32, #tpu.memory_space<hbm>> -> memref<128x128xf32, #tpu.memory_space<hbm>>
        %dma_start3A_18 = arith.constant 0 : i32
        %dma_start3A_19 = tpu.memref_slice %arg4[%add3A_11, %dma_start3A_18] : memref<65536x128xf32, #tpu.memory_space<hbm>> -> memref<128x128xf32, #tpu.memory_space<hbm>>
        tpu.enqueue_dma source(%arg6 : memref<128x128xf32, #tpu.memory_space<vmem>>) target(%dma_start3A_19 : memref<128x128xf32, #tpu.memory_space<hbm>>) target_semaphore(%run_scoped3A : memref<!tpu.dma_semaphore, #tpu.memory_space<semaphore_mem>>)
        %dma_wait3A_20 = arith.constant 0 : i32
        %dma_wait3A_21 = tpu.memref_slice %arg4[%add3A_11, %dma_wait3A_20] : memref<65536x128xf32, #tpu.memory_space<hbm>> -> memref<128x128xf32, #tpu.memory_space<hbm>>
        %dma_wait3A_22 = arith.constant 0 : i32
        %dma_wait3A_23 = tpu.memref_slice %arg4[%add3A_11, %dma_wait3A_22] : memref<65536x128xf32, #tpu.memory_space<hbm>> -> memref<128x128xf32, #tpu.memory_space<hbm>>
        tpu.wait_dma2 semaphore(%run_scoped3A : memref<!tpu.dma_semaphore, #tpu.memory_space<semaphore_mem>>) src(%arg6 : memref<128x128xf32, #tpu.memory_space<vmem>>) dst(%dma_wait3A_23 : memref<128x128xf32, #tpu.memory_space<hbm>>)
        tpu.yield
      }) : () -> ()
    }
    %scan3A_5 = arith.constant 16 : i32
    return
  }
}

module attributes {stable_mosaic.version = 14 : i64} {
  func.func @_fps_kernel(%arg0: memref<128x128xf32, #tpu.memory_space<vmem>>, %arg1: memref<128x128xf32, #tpu.memory_space<vmem>>, %arg2: memref<128x128xf32, #tpu.memory_space<vmem>>, %arg3: memref<16384x1xf32, #tpu.memory_space<vmem>>, %arg4: memref<16384x1xf32, #tpu.memory_space<vmem>>, %arg5: memref<16384x1xf32, #tpu.memory_space<vmem>>, %arg6: memref<32x128xi32, #tpu.memory_space<vmem>>, %arg7: memref<32x128xf32, #tpu.memory_space<vmem>>, %arg8: memref<32x128xf32, #tpu.memory_space<vmem>>, %arg9: memref<32x128xf32, #tpu.memory_space<vmem>>, %arg10: memref<128x128xf32, #tpu.memory_space<vmem>>) attributes {dimension_semantics = [], scalar_prefetch = 0 : i64, scratch_operands = 1 : i64, tpu.core_type = #tpu.core_type<tc>} {
    %get3A = arith.constant 0 : index
    %get3A_0 = arith.constant 0 : index
    %get3A_1 = vector.load %arg0[%get3A, %get3A_0] : memref<128x128xf32, #tpu.memory_space<vmem>>, vector<128x128xf32>
    %get3A_2 = arith.constant 0 : index
    %get3A_3 = arith.constant 0 : index
    %get3A_4 = vector.load %arg1[%get3A_2, %get3A_3] : memref<128x128xf32, #tpu.memory_space<vmem>>, vector<128x128xf32>
    %get3A_5 = arith.constant 0 : index
    %get3A_6 = arith.constant 0 : index
    %get3A_7 = vector.load %arg2[%get3A_5, %get3A_6] : memref<128x128xf32, #tpu.memory_space<vmem>>, vector<128x128xf32>
    %iota3A = tpu.iota {dimensions = array<i32: 0>} : vector<128x128xi32>
    %iota3A_8 = tpu.iota {dimensions = array<i32: 1>} : vector<128x128xi32>
    %mul3A = arith.constant 128 : i32
    %mul3A_9 = vector.broadcast %mul3A : i32 to vector<128x128xi32>
    %mul3A_10 = arith.muli %iota3A, %mul3A_9 : vector<128x128xi32>
    %add3A = arith.addi %mul3A_10, %iota3A_8 : vector<128x128xi32>
    %iota3A_11 = tpu.iota {dimensions = array<i32: 0>} : vector<32x128xi32>
    %iota3A_12 = tpu.iota {dimensions = array<i32: 1>} : vector<32x128xi32>
    %get3A_13 = arith.constant 0 : index
    %get3A_14 = arith.constant 0 : index
    %get3A_15 = vector.load %arg3[%get3A_13, %get3A_14] : memref<16384x1xf32, #tpu.memory_space<vmem>>, vector<1x1xf32>
    %get3A_16 = vector.extract %get3A_15[0, 0] : f32 from vector<1x1xf32>
    %get3A_17 = arith.constant 0 : index
    %get3A_18 = arith.constant 0 : index
    %get3A_19 = vector.load %arg4[%get3A_17, %get3A_18] : memref<16384x1xf32, #tpu.memory_space<vmem>>, vector<1x1xf32>
    %get3A_20 = vector.extract %get3A_19[0, 0] : f32 from vector<1x1xf32>
    %get3A_21 = arith.constant 0 : index
    %get3A_22 = arith.constant 0 : index
    %get3A_23 = vector.load %arg5[%get3A_21, %get3A_22] : memref<16384x1xf32, #tpu.memory_space<vmem>>, vector<1x1xf32>
    %get3A_24 = vector.extract %get3A_23[0, 0] : f32 from vector<1x1xf32>
    %jit3A = arith.constant 0 : i32
    %jit3A_25 = arith.constant 128 : i32
    %div3A = arith.divsi %jit3A, %jit3A_25 : i32
    %sign3A = arith.constant 0 : i32
    %sign3A_26 = arith.cmpi sgt, %jit3A, %sign3A : i32
    %sign3A_27 = arith.extui %sign3A_26 : i1 to i32
    %sign3A_28 = arith.constant 0 : i32
    %sign3A_29 = arith.cmpi slt, %jit3A, %sign3A_28 : i32
    %sign3A_30 = arith.extui %sign3A_29 : i1 to i32
    %sign3A_31 = arith.subi %sign3A_27, %sign3A_30 : i32
    %sign3A_32 = arith.constant 0 : i32
    %sign3A_33 = arith.cmpi sgt, %jit3A_25, %sign3A_32 : i32
    %sign3A_34 = arith.extui %sign3A_33 : i1 to i32
    %sign3A_35 = arith.constant 0 : i32
    %sign3A_36 = arith.cmpi slt, %jit3A_25, %sign3A_35 : i32
    %sign3A_37 = arith.extui %sign3A_36 : i1 to i32
    %sign3A_38 = arith.subi %sign3A_34, %sign3A_37 : i32
    %ne3A = arith.cmpi ne, %sign3A_31, %sign3A_38 : i32
    %rem3A = arith.remsi %jit3A, %jit3A_25 : i32
    %ne3A_39 = arith.constant 0 : i32
    %ne3A_40 = arith.cmpi ne, %rem3A, %ne3A_39 : i32
    %and3A = arith.andi %ne3A, %ne3A_40 : i1
    %sub3A = arith.constant 1 : i32
    %sub3A_41 = arith.subi %div3A, %sub3A : i32
    %select_n3A = arith.select %and3A, %sub3A_41, %div3A : i32
    %eq3A = vector.broadcast %select_n3A : i32 to vector<32x128xi32>
    %eq3A_42 = arith.cmpi eq, %iota3A_11, %eq3A : vector<32x128xi32>
    %jit3A_43 = arith.constant 0 : i32
    %jit3A_44 = arith.constant 128 : i32
    %eq3A_45 = arith.constant 0 : i32
    %eq3A_46 = arith.cmpi eq, %jit3A_44, %eq3A_45 : i32
    %jit3A_47 = arith.constant 1 : i32
    %select_n3A_48 = arith.select %eq3A_46, %jit3A_47, %jit3A_44 : i32
    %rem3A_49 = arith.remsi %jit3A_43, %select_n3A_48 : i32
    %ne3A_50 = arith.constant 0 : i32
    %ne3A_51 = arith.cmpi ne, %rem3A_49, %ne3A_50 : i32
    %lt3A = arith.constant 0 : i32
    %lt3A_52 = arith.cmpi slt, %rem3A_49, %lt3A : i32
    %lt3A_53 = arith.constant 0 : i32
    %lt3A_54 = arith.cmpi slt, %select_n3A_48, %lt3A_53 : i32
    %ne3A_55 = arith.xori %lt3A_52, %lt3A_54 : i1
    %and3A_56 = arith.andi %ne3A_55, %ne3A_51 : i1
    %add3A_57 = arith.addi %rem3A_49, %select_n3A_48 : i32
    %select_n3A_58 = arith.select %and3A_56, %add3A_57, %rem3A_49 : i32
    %eq3A_59 = vector.broadcast %select_n3A_58 : i32 to vector<32x128xi32>
    %eq3A_60 = arith.cmpi eq, %iota3A_12, %eq3A_59 : vector<32x128xi32>
    %and3A_61 = arith.andi %eq3A_42, %eq3A_60 : vector<32x128xi1>
    %get3A_62 = arith.constant 0 : index
    %get3A_63 = arith.constant 0 : index
    %get3A_64 = vector.load %arg6[%get3A_62, %get3A_63] : memref<32x128xi32, #tpu.memory_space<vmem>>, vector<32x128xi32>
    %jit3A_65 = arith.constant 0 : i32
    %broadcast_in_dim3A = vector.broadcast %jit3A_65 : i32 to vector<32x128xi32>
    %select_n3A_66 = arith.select %and3A_61, %broadcast_in_dim3A, %get3A_64 : vector<32x128xi1>, vector<32x128xi32>
    %swap3A = arith.constant 0 : index
    %swap3A_67 = arith.constant 0 : index
    %swap3A_68 = vector.load %arg6[%swap3A, %swap3A_67] : memref<32x128xi32, #tpu.memory_space<vmem>>, vector<32x128xi32>
    tpu.vector_store %arg6[%swap3A, %swap3A_67], %select_n3A_66 {strides = array<i32>} : memref<32x128xi32, #tpu.memory_space<vmem>>, vector<32x128xi32>,
    %get3A_69 = arith.constant 0 : index
    %get3A_70 = arith.constant 0 : index
    %get3A_71 = vector.load %arg7[%get3A_69, %get3A_70] : memref<32x128xf32, #tpu.memory_space<vmem>>, vector<32x128xf32>
    %broadcast_in_dim3A_72 = vector.broadcast %get3A_16 : f32 to vector<32x128xf32>
    %select_n3A_73 = arith.select %and3A_61, %broadcast_in_dim3A_72, %get3A_71 : vector<32x128xi1>, vector<32x128xf32>
    %swap3A_74 = arith.constant 0 : index
    %swap3A_75 = arith.constant 0 : index
    %swap3A_76 = vector.load %arg7[%swap3A_74, %swap3A_75] : memref<32x128xf32, #tpu.memory_space<vmem>>, vector<32x128xf32>
    tpu.vector_store %arg7[%swap3A_74, %swap3A_75], %select_n3A_73 {strides = array<i32>} : memref<32x128xf32, #tpu.memory_space<vmem>>, vector<32x128xf32>,
    %get3A_77 = arith.constant 0 : index
    %get3A_78 = arith.constant 0 : index
    %get3A_79 = vector.load %arg8[%get3A_77, %get3A_78] : memref<32x128xf32, #tpu.memory_space<vmem>>, vector<32x128xf32>
    %broadcast_in_dim3A_80 = vector.broadcast %get3A_20 : f32 to vector<32x128xf32>
    %select_n3A_81 = arith.select %and3A_61, %broadcast_in_dim3A_80, %get3A_79 : vector<32x128xi1>, vector<32x128xf32>
    %swap3A_82 = arith.constant 0 : index
    %swap3A_83 = arith.constant 0 : index
    %swap3A_84 = vector.load %arg8[%swap3A_82, %swap3A_83] : memref<32x128xf32, #tpu.memory_space<vmem>>, vector<32x128xf32>
    tpu.vector_store %arg8[%swap3A_82, %swap3A_83], %select_n3A_81 {strides = array<i32>} : memref<32x128xf32, #tpu.memory_space<vmem>>, vector<32x128xf32>,
    %get3A_85 = arith.constant 0 : index
    %get3A_86 = arith.constant 0 : index
    %get3A_87 = vector.load %arg9[%get3A_85, %get3A_86] : memref<32x128xf32, #tpu.memory_space<vmem>>, vector<32x128xf32>
    %broadcast_in_dim3A_88 = vector.broadcast %get3A_24 : f32 to vector<32x128xf32>
    %select_n3A_89 = arith.select %and3A_61, %broadcast_in_dim3A_88, %get3A_87 : vector<32x128xi1>, vector<32x128xf32>
    %swap3A_90 = arith.constant 0 : index
    %swap3A_91 = arith.constant 0 : index
    %swap3A_92 = vector.load %arg9[%swap3A_90, %swap3A_91] : memref<32x128xf32, #tpu.memory_space<vmem>>, vector<32x128xf32>
    tpu.vector_store %arg9[%swap3A_90, %swap3A_91], %select_n3A_89 {strides = array<i32>} : memref<32x128xf32, #tpu.memory_space<vmem>>, vector<32x128xf32>,
    %broadcast_in_dim3A_93 = arith.constant 0x7F800000 : f32
    %broadcast_in_dim3A_94 = vector.broadcast %broadcast_in_dim3A_93 : f32 to vector<128x128xf32>
    %swap3A_95 = arith.constant 0 : index
    %swap3A_96 = arith.constant 0 : index
    %swap3A_97 = vector.load %arg10[%swap3A_95, %swap3A_96] : memref<128x128xf32, #tpu.memory_space<vmem>>, vector<128x128xf32>
    tpu.vector_store %arg10[%swap3A_95, %swap3A_96], %broadcast_in_dim3A_94 {strides = array<i32>} : memref<128x128xf32, #tpu.memory_space<vmem>>, vector<128x128xf32>,
    %scan3A = arith.constant 1 : i32
    %scan3A_98 = arith.constant 4095 : i32
    %scan3A_99 = arith.addi %scan3A, %scan3A_98 : i32
    %scan3A_100 = arith.constant 1 : i32
    %scan3A_101:3 = scf.for %scan3A_103 = %scan3A to %scan3A_99 step %scan3A_100 iter_args(%scan3A_104 = %get3A_16, %scan3A_105 = %get3A_20, %scan3A_106 = %get3A_24) -> (f32, f32, f32)  : i32 {
      %sub3A_107 = vector.broadcast %scan3A_104 : f32 to vector<128x128xf32>
      %sub3A_108 = arith.subf %get3A_1, %sub3A_107 : vector<128x128xf32>
      %sub3A_109 = vector.broadcast %scan3A_105 : f32 to vector<128x128xf32>
      %sub3A_110 = arith.subf %get3A_4, %sub3A_109 : vector<128x128xf32>
      %sub3A_111 = vector.broadcast %scan3A_106 : f32 to vector<128x128xf32>
      %sub3A_112 = arith.subf %get3A_7, %sub3A_111 : vector<128x128xf32>
      %mul3A_113 = arith.mulf %sub3A_108, %sub3A_108 : vector<128x128xf32>
      %mul3A_114 = arith.mulf %sub3A_112, %sub3A_112 : vector<128x128xf32>
      %add3A_115 = arith.addf %mul3A_113, %mul3A_114 : vector<128x128xf32>
      %mul3A_116 = arith.mulf %sub3A_110, %sub3A_110 : vector<128x128xf32>
      %add3A_117 = arith.addf %add3A_115, %mul3A_116 : vector<128x128xf32>
      %get3A_118 = arith.constant 0 : index
      %get3A_119 = arith.constant 0 : index
      %get3A_120 = vector.load %arg10[%get3A_118, %get3A_119] : memref<128x128xf32, #tpu.memory_space<vmem>>, vector<128x128xf32>
      %min3A = arith.minimumf %get3A_120, %add3A_117 : vector<128x128xf32>
      %swap3A_121 = arith.constant 0 : index
      %swap3A_122 = arith.constant 0 : index
      %swap3A_123 = vector.load %arg10[%swap3A_121, %swap3A_122] : memref<128x128xf32, #tpu.memory_space<vmem>>, vector<128x128xf32>
      tpu.vector_store %arg10[%swap3A_121, %swap3A_122], %min3A {strides = array<i32>} : memref<128x128xf32, #tpu.memory_space<vmem>>, vector<128x128xf32>,
      %reduce_max3A = vector.shape_cast %min3A : vector<128x128xf32> to vector<1x128x128xf32>
      %reduce_max3A_124 = arith.constant dense<0xFF800000> : vector<1xf32>
      %reduce_max3A_125 = vector.multi_reduction <maximumf>, %reduce_max3A, %reduce_max3A_124 [1, 2] : vector<1x128x128xf32> to vector<1xf32>
      %reduce_max3A_126 = vector.shape_cast %reduce_max3A_125 : vector<1xf32> to vector<1x1x1xf32>
      %reduce_max3A_127 = vector.extract %reduce_max3A_126[0, 0, 0] : f32 from vector<1x1x1xf32>
      %eq3A_128 = vector.broadcast %reduce_max3A_127 : f32 to vector<128x128xf32>
      %eq3A_129 = arith.cmpf oeq, %min3A, %eq3A_128 : vector<128x128xf32>
      %jit3A_130 = arith.constant 1073741824 : i32
      %broadcast_in_dim3A_131 = vector.broadcast %jit3A_130 : i32 to vector<128x128xi32>
      %select_n3A_132 = arith.select %eq3A_129, %add3A, %broadcast_in_dim3A_131 : vector<128x128xi1>, vector<128x128xi32>
      %reduce_min3A = vector.shape_cast %select_n3A_132 : vector<128x128xi32> to vector<1x128x128xi32>
      %reduce_min3A_133 = arith.constant dense<2147483647> : vector<1xi32>
      %reduce_min3A_134 = vector.multi_reduction <minsi>, %reduce_min3A, %reduce_min3A_133 [1, 2] : vector<1x128x128xi32> to vector<1xi32>
      %reduce_min3A_135 = vector.shape_cast %reduce_min3A_134 : vector<1xi32> to vector<1x1x1xi32>
      %reduce_min3A_136 = vector.extract %reduce_min3A_135[0, 0, 0] : i32 from vector<1x1x1xi32>
      %get3A_137 = arith.index_cast %reduce_min3A_136 : i32 to index
      %get3A_138 = arith.constant 0 : index
      %get3A_139 = vector.load %arg3[%get3A_137, %get3A_138] : memref<16384x1xf32, #tpu.memory_space<vmem>>, vector<1x1xf32>
      %get3A_140 = vector.extract %get3A_139[0, 0] : f32 from vector<1x1xf32>
      %get3A_141 = arith.index_cast %reduce_min3A_136 : i32 to index
      %get3A_142 = arith.constant 0 : index
      %get3A_143 = vector.load %arg4[%get3A_141, %get3A_142] : memref<16384x1xf32, #tpu.memory_space<vmem>>, vector<1x1xf32>
      %get3A_144 = vector.extract %get3A_143[0, 0] : f32 from vector<1x1xf32>
      %get3A_145 = arith.index_cast %reduce_min3A_136 : i32 to index
      %get3A_146 = arith.constant 0 : index
      %get3A_147 = vector.load %arg5[%get3A_145, %get3A_146] : memref<16384x1xf32, #tpu.memory_space<vmem>>, vector<1x1xf32>
      %get3A_148 = vector.extract %get3A_147[0, 0] : f32 from vector<1x1xf32>
      %jit3A_149 = arith.constant 128 : i32
      %div3A_150 = arith.divsi %scan3A_103, %jit3A_149 : i32
      %sign3A_151 = arith.constant 0 : i32
      %sign3A_152 = arith.cmpi sgt, %scan3A_103, %sign3A_151 : i32
      %sign3A_153 = arith.extui %sign3A_152 : i1 to i32
      %sign3A_154 = arith.constant 0 : i32
      %sign3A_155 = arith.cmpi slt, %scan3A_103, %sign3A_154 : i32
      %sign3A_156 = arith.extui %sign3A_155 : i1 to i32
      %sign3A_157 = arith.subi %sign3A_153, %sign3A_156 : i32
      %sign3A_158 = arith.constant 0 : i32
      %sign3A_159 = arith.cmpi sgt, %jit3A_149, %sign3A_158 : i32
      %sign3A_160 = arith.extui %sign3A_159 : i1 to i32
      %sign3A_161 = arith.constant 0 : i32
      %sign3A_162 = arith.cmpi slt, %jit3A_149, %sign3A_161 : i32
      %sign3A_163 = arith.extui %sign3A_162 : i1 to i32
      %sign3A_164 = arith.subi %sign3A_160, %sign3A_163 : i32
      %ne3A_165 = arith.cmpi ne, %sign3A_157, %sign3A_164 : i32
      %rem3A_166 = arith.remsi %scan3A_103, %jit3A_149 : i32
      %ne3A_167 = arith.constant 0 : i32
      %ne3A_168 = arith.cmpi ne, %rem3A_166, %ne3A_167 : i32
      %and3A_169 = arith.andi %ne3A_165, %ne3A_168 : i1
      %sub3A_170 = arith.constant 1 : i32
      %sub3A_171 = arith.subi %div3A_150, %sub3A_170 : i32
      %select_n3A_172 = arith.select %and3A_169, %sub3A_171, %div3A_150 : i32
      %eq3A_173 = vector.broadcast %select_n3A_172 : i32 to vector<32x128xi32>
      %eq3A_174 = arith.cmpi eq, %iota3A_11, %eq3A_173 : vector<32x128xi32>
      %jit3A_175 = arith.constant 128 : i32
      %eq3A_176 = arith.constant 0 : i32
      %eq3A_177 = arith.cmpi eq, %jit3A_175, %eq3A_176 : i32
      %jit3A_178 = arith.constant 1 : i32
      %select_n3A_179 = arith.select %eq3A_177, %jit3A_178, %jit3A_175 : i32
      %rem3A_180 = arith.remsi %scan3A_103, %select_n3A_179 : i32
      %ne3A_181 = arith.constant 0 : i32
      %ne3A_182 = arith.cmpi ne, %rem3A_180, %ne3A_181 : i32
      %lt3A_183 = arith.constant 0 : i32
      %lt3A_184 = arith.cmpi slt, %rem3A_180, %lt3A_183 : i32
      %lt3A_185 = arith.constant 0 : i32
      %lt3A_186 = arith.cmpi slt, %select_n3A_179, %lt3A_185 : i32
      %ne3A_187 = arith.xori %lt3A_184, %lt3A_186 : i1
      %and3A_188 = arith.andi %ne3A_187, %ne3A_182 : i1
      %add3A_189 = arith.addi %rem3A_180, %select_n3A_179 : i32
      %select_n3A_190 = arith.select %and3A_188, %add3A_189, %rem3A_180 : i32
      %eq3A_191 = vector.broadcast %select_n3A_190 : i32 to vector<32x128xi32>
      %eq3A_192 = arith.cmpi eq, %iota3A_12, %eq3A_191 : vector<32x128xi32>
      %and3A_193 = arith.andi %eq3A_174, %eq3A_192 : vector<32x128xi1>
      %get3A_194 = arith.constant 0 : index
      %get3A_195 = arith.constant 0 : index
      %get3A_196 = vector.load %arg6[%get3A_194, %get3A_195] : memref<32x128xi32, #tpu.memory_space<vmem>>, vector<32x128xi32>
      %broadcast_in_dim3A_197 = vector.broadcast %reduce_min3A_136 : i32 to vector<32x128xi32>
      %select_n3A_198 = arith.select %and3A_193, %broadcast_in_dim3A_197, %get3A_196 : vector<32x128xi1>, vector<32x128xi32>
      %swap3A_199 = arith.constant 0 : index
      %swap3A_200 = arith.constant 0 : index
      %swap3A_201 = vector.load %arg6[%swap3A_199, %swap3A_200] : memref<32x128xi32, #tpu.memory_space<vmem>>, vector<32x128xi32>
      tpu.vector_store %arg6[%swap3A_199, %swap3A_200], %select_n3A_198 {strides = array<i32>} : memref<32x128xi32, #tpu.memory_space<vmem>>, vector<32x128xi32>,
      %get3A_202 = arith.constant 0 : index
      %get3A_203 = arith.constant 0 : index
      %get3A_204 = vector.load %arg7[%get3A_202, %get3A_203] : memref<32x128xf32, #tpu.memory_space<vmem>>, vector<32x128xf32>
      %broadcast_in_dim3A_205 = vector.broadcast %get3A_140 : f32 to vector<32x128xf32>
      %select_n3A_206 = arith.select %and3A_193, %broadcast_in_dim3A_205, %get3A_204 : vector<32x128xi1>, vector<32x128xf32>
      %swap3A_207 = arith.constant 0 : index
      %swap3A_208 = arith.constant 0 : index
      %swap3A_209 = vector.load %arg7[%swap3A_207, %swap3A_208] : memref<32x128xf32, #tpu.memory_space<vmem>>, vector<32x128xf32>
      tpu.vector_store %arg7[%swap3A_207, %swap3A_208], %select_n3A_206 {strides = array<i32>} : memref<32x128xf32, #tpu.memory_space<vmem>>, vector<32x128xf32>,
      %get3A_210 = arith.constant 0 : index
      %get3A_211 = arith.constant 0 : index
      %get3A_212 = vector.load %arg8[%get3A_210, %get3A_211] : memref<32x128xf32, #tpu.memory_space<vmem>>, vector<32x128xf32>
      %broadcast_in_dim3A_213 = vector.broadcast %get3A_144 : f32 to vector<32x128xf32>
      %select_n3A_214 = arith.select %and3A_193, %broadcast_in_dim3A_213, %get3A_212 : vector<32x128xi1>, vector<32x128xf32>
      %swap3A_215 = arith.constant 0 : index
      %swap3A_216 = arith.constant 0 : index
      %swap3A_217 = vector.load %arg8[%swap3A_215, %swap3A_216] : memref<32x128xf32, #tpu.memory_space<vmem>>, vector<32x128xf32>
      tpu.vector_store %arg8[%swap3A_215, %swap3A_216], %select_n3A_214 {strides = array<i32>} : memref<32x128xf32, #tpu.memory_space<vmem>>, vector<32x128xf32>,
      %get3A_218 = arith.constant 0 : index
      %get3A_219 = arith.constant 0 : index
      %get3A_220 = vector.load %arg9[%get3A_218, %get3A_219] : memref<32x128xf32, #tpu.memory_space<vmem>>, vector<32x128xf32>
      %broadcast_in_dim3A_221 = vector.broadcast %get3A_148 : f32 to vector<32x128xf32>
      %select_n3A_222 = arith.select %and3A_193, %broadcast_in_dim3A_221, %get3A_220 : vector<32x128xi1>, vector<32x128xf32>
      %swap3A_223 = arith.constant 0 : index
      %swap3A_224 = arith.constant 0 : index
      %swap3A_225 = vector.load %arg9[%swap3A_223, %swap3A_224] : memref<32x128xf32, #tpu.memory_space<vmem>>, vector<32x128xf32>
      tpu.vector_store %arg9[%swap3A_223, %swap3A_224], %select_n3A_222 {strides = array<i32>} : memref<32x128xf32, #tpu.memory_space<vmem>>, vector<32x128xf32>,
      scf.yield %get3A_140, %get3A_144, %get3A_148 : f32, f32, f32
    }
    %scan3A_102 = arith.constant 4095 : i32
    return
  }
}

module attributes {stable_mosaic.version = 14 : i64} {
  func.func @_topk_kernel(%arg0: i32, %arg1: memref<1x16384xf32, #tpu.memory_space<vmem>>, %arg2: memref<1x16384xf32, #tpu.memory_space<vmem>>, %arg3: memref<1x16384xf32, #tpu.memory_space<vmem>>, %arg4: memref<64x1xf32, #tpu.memory_space<vmem>>, %arg5: memref<64x1xf32, #tpu.memory_space<vmem>>, %arg6: memref<64x1xf32, #tpu.memory_space<vmem>>, %arg7: memref<64x16xi32, #tpu.memory_space<vmem>>) attributes {dimension_semantics = [#tpu.dimension_semantics<arbitrary>], iteration_bounds = array<i64: 64>, scalar_prefetch = 0 : i64, scratch_operands = 0 : i64, tpu.core_type = #tpu.core_type<tc>, window_params = [{pipeline_mode = #tpu.pipeline_mode<synchronous>, transform_indices = @transform_0, window_bounds = array<i64: 1, 16384>}, {pipeline_mode = #tpu.pipeline_mode<synchronous>, transform_indices = @transform_1, window_bounds = array<i64: 1, 16384>}, {pipeline_mode = #tpu.pipeline_mode<synchronous>, transform_indices = @transform_2, window_bounds = array<i64: 1, 16384>}, {transform_indices = @transform_3, window_bounds = array<i64: 64, 1>}, {transform_indices = @transform_4, window_bounds = array<i64: 64, 1>}, {transform_indices = @transform_5, window_bounds = array<i64: 64, 1>}, {transform_indices = @transform_6, window_bounds = array<i64: 64, 16>}]} {
    %get3A = arith.constant 0 : index
    %get3A_0 = arith.constant 0 : index
    %get3A_1 = vector.load %arg1[%get3A, %get3A_0] : memref<1x16384xf32, #tpu.memory_space<vmem>>, vector<1x16384xf32>
    %get3A_2 = arith.constant 0 : index
    %get3A_3 = arith.constant 0 : index
    %get3A_4 = vector.load %arg2[%get3A_2, %get3A_3] : memref<1x16384xf32, #tpu.memory_space<vmem>>, vector<1x16384xf32>
    %get3A_5 = arith.constant 0 : index
    %get3A_6 = arith.constant 0 : index
    %get3A_7 = vector.load %arg3[%get3A_5, %get3A_6] : memref<1x16384xf32, #tpu.memory_space<vmem>>, vector<1x16384xf32>
    %mul3A = arith.mulf %get3A_1, %get3A_1 : vector<1x16384xf32>
    %mul3A_8 = arith.mulf %get3A_4, %get3A_4 : vector<1x16384xf32>
    %add3A = arith.addf %mul3A, %mul3A_8 : vector<1x16384xf32>
    %mul3A_9 = arith.mulf %get3A_7, %get3A_7 : vector<1x16384xf32>
    %add3A_10 = arith.addf %add3A, %mul3A_9 : vector<1x16384xf32>
    %convert_element_type3A = arith.truncf %get3A_1 : vector<1x16384xf32> to vector<1x16384xbf16>
    %convert_element_type3A_11 = arith.extf %convert_element_type3A : vector<1x16384xbf16> to vector<1x16384xf32>
    %get3A_12 = arith.constant 0 : index
    %get3A_13 = arith.constant 0 : index
    %get3A_14 = vector.load %arg4[%get3A_12, %get3A_13] : memref<64x1xf32, #tpu.memory_space<vmem>>, vector<64x1xf32>
    %convert_element_type3A_15 = arith.truncf %get3A_14 : vector<64x1xf32> to vector<64x1xbf16>
    %convert_element_type3A_16 = arith.extf %convert_element_type3A_15 : vector<64x1xbf16> to vector<64x1xf32>
    %mul3A_17 = vector.broadcast %convert_element_type3A_11 : vector<1x16384xf32> to vector<64x16384xf32>
    %mul3A_18 = vector.broadcast %convert_element_type3A_16 : vector<64x1xf32> to vector<64x16384xf32>
    %mul3A_19 = arith.mulf %mul3A_17, %mul3A_18 : vector<64x16384xf32>
    %convert_element_type3A_20 = arith.truncf %get3A_4 : vector<1x16384xf32> to vector<1x16384xbf16>
    %convert_element_type3A_21 = arith.extf %convert_element_type3A_20 : vector<1x16384xbf16> to vector<1x16384xf32>
    %get3A_22 = arith.constant 0 : index
    %get3A_23 = arith.constant 0 : index
    %get3A_24 = vector.load %arg5[%get3A_22, %get3A_23] : memref<64x1xf32, #tpu.memory_space<vmem>>, vector<64x1xf32>
    %convert_element_type3A_25 = arith.truncf %get3A_24 : vector<64x1xf32> to vector<64x1xbf16>
    %convert_element_type3A_26 = arith.extf %convert_element_type3A_25 : vector<64x1xbf16> to vector<64x1xf32>
    %mul3A_27 = vector.broadcast %convert_element_type3A_21 : vector<1x16384xf32> to vector<64x16384xf32>
    %mul3A_28 = vector.broadcast %convert_element_type3A_26 : vector<64x1xf32> to vector<64x16384xf32>
    %mul3A_29 = arith.mulf %mul3A_27, %mul3A_28 : vector<64x16384xf32>
    %add3A_30 = arith.addf %mul3A_19, %mul3A_29 : vector<64x16384xf32>
    %convert_element_type3A_31 = arith.truncf %get3A_7 : vector<1x16384xf32> to vector<1x16384xbf16>
    %convert_element_type3A_32 = arith.extf %convert_element_type3A_31 : vector<1x16384xbf16> to vector<1x16384xf32>
    %get3A_33 = arith.constant 0 : index
    %get3A_34 = arith.constant 0 : index
    %get3A_35 = vector.load %arg6[%get3A_33, %get3A_34] : memref<64x1xf32, #tpu.memory_space<vmem>>, vector<64x1xf32>
    %convert_element_type3A_36 = arith.truncf %get3A_35 : vector<64x1xf32> to vector<64x1xbf16>
    %convert_element_type3A_37 = arith.extf %convert_element_type3A_36 : vector<64x1xbf16> to vector<64x1xf32>
    %mul3A_38 = vector.broadcast %convert_element_type3A_32 : vector<1x16384xf32> to vector<64x16384xf32>
    %mul3A_39 = vector.broadcast %convert_element_type3A_37 : vector<64x1xf32> to vector<64x16384xf32>
    %mul3A_40 = arith.mulf %mul3A_38, %mul3A_39 : vector<64x16384xf32>
    %add3A_41 = arith.addf %add3A_30, %mul3A_40 : vector<64x16384xf32>
    %mul3A_42 = arith.constant 2.000000e+00 : f32
    %mul3A_43 = vector.broadcast %mul3A_42 : f32 to vector<64x16384xf32>
    %mul3A_44 = arith.mulf %mul3A_43, %add3A_41 : vector<64x16384xf32>
    %sub3A = vector.broadcast %add3A_10 : vector<1x16384xf32> to vector<64x16384xf32>
    %sub3A_45 = arith.subf %sub3A, %mul3A_44 : vector<64x16384xf32>
    %iota3A = tpu.iota {dimensions = array<i32: 1>} : vector<64x16384xi32>
    %reduce_min3A = arith.constant dense<0x7F800000> : vector<64xf32>
    %reduce_min3A_46 = vector.multi_reduction <minimumf>, %sub3A_45, %reduce_min3A [1] : vector<64x16384xf32> to vector<64xf32>
    %broadcast_in_dim3A = vector.shape_cast %reduce_min3A_46 : vector<64xf32> to vector<64x1xf32>
    %eq3A = vector.broadcast %broadcast_in_dim3A : vector<64x1xf32> to vector<64x16384xf32>
    %eq3A_47 = arith.cmpf oeq, %sub3A_45, %eq3A : vector<64x16384xf32>
    %jit3A = arith.constant 1073741824 : i32
    %broadcast_in_dim3A_48 = vector.broadcast %jit3A : i32 to vector<64x16384xi32>
    %select_n3A = arith.select %eq3A_47, %iota3A, %broadcast_in_dim3A_48 : vector<64x16384xi1>, vector<64x16384xi32>
    %reduce_min3A_49 = arith.constant dense<2147483647> : vector<64xi32>
    %reduce_min3A_50 = vector.multi_reduction <minsi>, %select_n3A, %reduce_min3A_49 [1] : vector<64x16384xi32> to vector<64xi32>
    %broadcast_in_dim3A_51 = vector.shape_cast %reduce_min3A_50 : vector<64xi32> to vector<64x1xi32>
    %swap3A = arith.constant 0 : index
    %swap3A_52 = arith.constant 0 : index
    %swap3A_53 = vector.load %arg7[%swap3A, %swap3A_52] : memref<64x16xi32, #tpu.memory_space<vmem>>, vector<64x1xi32>
    tpu.vector_store %arg7[%swap3A, %swap3A_52], %broadcast_in_dim3A_51 {strides = array<i32>} : memref<64x16xi32, #tpu.memory_space<vmem>>, vector<64x1xi32>,
    %eq3A_54 = vector.broadcast %broadcast_in_dim3A_51 : vector<64x1xi32> to vector<64x16384xi32>
    %eq3A_55 = arith.cmpi eq, %iota3A, %eq3A_54 : vector<64x16384xi32>
    %jit3A_56 = arith.constant 0x7F800000 : f32
    %broadcast_in_dim3A_57 = vector.broadcast %jit3A_56 : f32 to vector<64x16384xf32>
    %select_n3A_58 = arith.select %eq3A_55, %broadcast_in_dim3A_57, %sub3A_45 : vector<64x16384xi1>, vector<64x16384xf32>
    %reduce_min3A_59 = arith.constant dense<0x7F800000> : vector<64xf32>
    %reduce_min3A_60 = vector.multi_reduction <minimumf>, %select_n3A_58, %reduce_min3A_59 [1] : vector<64x16384xf32> to vector<64xf32>
    %broadcast_in_dim3A_61 = vector.shape_cast %reduce_min3A_60 : vector<64xf32> to vector<64x1xf32>
    %eq3A_62 = vector.broadcast %broadcast_in_dim3A_61 : vector<64x1xf32> to vector<64x16384xf32>
    %eq3A_63 = arith.cmpf oeq, %select_n3A_58, %eq3A_62 : vector<64x16384xf32>
    %jit3A_64 = arith.constant 1073741824 : i32
    %broadcast_in_dim3A_65 = vector.broadcast %jit3A_64 : i32 to vector<64x16384xi32>
    %select_n3A_66 = arith.select %eq3A_63, %iota3A, %broadcast_in_dim3A_65 : vector<64x16384xi1>, vector<64x16384xi32>
    %reduce_min3A_67 = arith.constant dense<2147483647> : vector<64xi32>
    %reduce_min3A_68 = vector.multi_reduction <minsi>, %select_n3A_66, %reduce_min3A_67 [1] : vector<64x16384xi32> to vector<64xi32>
    %broadcast_in_dim3A_69 = vector.shape_cast %reduce_min3A_68 : vector<64xi32> to vector<64x1xi32>
    %swap3A_70 = arith.constant 0 : index
    %swap3A_71 = arith.constant 1 : index
    %swap3A_72 = vector.load %arg7[%swap3A_70, %swap3A_71] : memref<64x16xi32, #tpu.memory_space<vmem>>, vector<64x1xi32>
    tpu.vector_store %arg7[%swap3A_70, %swap3A_71], %broadcast_in_dim3A_69 {strides = array<i32>} : memref<64x16xi32, #tpu.memory_space<vmem>>, vector<64x1xi32>,
    %eq3A_73 = vector.broadcast %broadcast_in_dim3A_69 : vector<64x1xi32> to vector<64x16384xi32>
    %eq3A_74 = arith.cmpi eq, %iota3A, %eq3A_73 : vector<64x16384xi32>
    %jit3A_75 = arith.constant 0x7F800000 : f32
    %broadcast_in_dim3A_76 = vector.broadcast %jit3A_75 : f32 to vector<64x16384xf32>
    %select_n3A_77 = arith.select %eq3A_74, %broadcast_in_dim3A_76, %select_n3A_58 : vector<64x16384xi1>, vector<64x16384xf32>
    %reduce_min3A_78 = arith.constant dense<0x7F800000> : vector<64xf32>
    %reduce_min3A_79 = vector.multi_reduction <minimumf>, %select_n3A_77, %reduce_min3A_78 [1] : vector<64x16384xf32> to vector<64xf32>
    %broadcast_in_dim3A_80 = vector.shape_cast %reduce_min3A_79 : vector<64xf32> to vector<64x1xf32>
    %eq3A_81 = vector.broadcast %broadcast_in_dim3A_80 : vector<64x1xf32> to vector<64x16384xf32>
    %eq3A_82 = arith.cmpf oeq, %select_n3A_77, %eq3A_81 : vector<64x16384xf32>
    %jit3A_83 = arith.constant 1073741824 : i32
    %broadcast_in_dim3A_84 = vector.broadcast %jit3A_83 : i32 to vector<64x16384xi32>
    %select_n3A_85 = arith.select %eq3A_82, %iota3A, %broadcast_in_dim3A_84 : vector<64x16384xi1>, vector<64x16384xi32>
    %reduce_min3A_86 = arith.constant dense<2147483647> : vector<64xi32>
    %reduce_min3A_87 = vector.multi_reduction <minsi>, %select_n3A_85, %reduce_min3A_86 [1] : vector<64x16384xi32> to vector<64xi32>
    %broadcast_in_dim3A_88 = vector.shape_cast %reduce_min3A_87 : vector<64xi32> to vector<64x1xi32>
    %swap3A_89 = arith.constant 0 : index
    %swap3A_90 = arith.constant 2 : index
    %swap3A_91 = vector.load %arg7[%swap3A_89, %swap3A_90] : memref<64x16xi32, #tpu.memory_space<vmem>>, vector<64x1xi32>
    tpu.vector_store %arg7[%swap3A_89, %swap3A_90], %broadcast_in_dim3A_88 {strides = array<i32>} : memref<64x16xi32, #tpu.memory_space<vmem>>, vector<64x1xi32>,
    %eq3A_92 = vector.broadcast %broadcast_in_dim3A_88 : vector<64x1xi32> to vector<64x16384xi32>
    %eq3A_93 = arith.cmpi eq, %iota3A, %eq3A_92 : vector<64x16384xi32>
    %jit3A_94 = arith.constant 0x7F800000 : f32
    %broadcast_in_dim3A_95 = vector.broadcast %jit3A_94 : f32 to vector<64x16384xf32>
    %select_n3A_96 = arith.select %eq3A_93, %broadcast_in_dim3A_95, %select_n3A_77 : vector<64x16384xi1>, vector<64x16384xf32>
    %reduce_min3A_97 = arith.constant dense<0x7F800000> : vector<64xf32>
    %reduce_min3A_98 = vector.multi_reduction <minimumf>, %select_n3A_96, %reduce_min3A_97 [1] : vector<64x16384xf32> to vector<64xf32>
    %broadcast_in_dim3A_99 = vector.shape_cast %reduce_min3A_98 : vector<64xf32> to vector<64x1xf32>
    %eq3A_100 = vector.broadcast %broadcast_in_dim3A_99 : vector<64x1xf32> to vector<64x16384xf32>
    %eq3A_101 = arith.cmpf oeq, %select_n3A_96, %eq3A_100 : vector<64x16384xf32>
    %jit3A_102 = arith.constant 1073741824 : i32
    %broadcast_in_dim3A_103 = vector.broadcast %jit3A_102 : i32 to vector<64x16384xi32>
    %select_n3A_104 = arith.select %eq3A_101, %iota3A, %broadcast_in_dim3A_103 : vector<64x16384xi1>, vector<64x16384xi32>
    %reduce_min3A_105 = arith.constant dense<2147483647> : vector<64xi32>
    %reduce_min3A_106 = vector.multi_reduction <minsi>, %select_n3A_104, %reduce_min3A_105 [1] : vector<64x16384xi32> to vector<64xi32>
    %broadcast_in_dim3A_107 = vector.shape_cast %reduce_min3A_106 : vector<64xi32> to vector<64x1xi32>
    %swap3A_108 = arith.constant 0 : index
    %swap3A_109 = arith.constant 3 : index
    %swap3A_110 = vector.load %arg7[%swap3A_108, %swap3A_109] : memref<64x16xi32, #tpu.memory_space<vmem>>, vector<64x1xi32>
    tpu.vector_store %arg7[%swap3A_108, %swap3A_109], %broadcast_in_dim3A_107 {strides = array<i32>} : memref<64x16xi32, #tpu.memory_space<vmem>>, vector<64x1xi32>,
    %eq3A_111 = vector.broadcast %broadcast_in_dim3A_107 : vector<64x1xi32> to vector<64x16384xi32>
    %eq3A_112 = arith.cmpi eq, %iota3A, %eq3A_111 : vector<64x16384xi32>
    %jit3A_113 = arith.constant 0x7F800000 : f32
    %broadcast_in_dim3A_114 = vector.broadcast %jit3A_113 : f32 to vector<64x16384xf32>
    %select_n3A_115 = arith.select %eq3A_112, %broadcast_in_dim3A_114, %select_n3A_96 : vector<64x16384xi1>, vector<64x16384xf32>
    %reduce_min3A_116 = arith.constant dense<0x7F800000> : vector<64xf32>
    %reduce_min3A_117 = vector.multi_reduction <minimumf>, %select_n3A_115, %reduce_min3A_116 [1] : vector<64x16384xf32> to vector<64xf32>
    %broadcast_in_dim3A_118 = vector.shape_cast %reduce_min3A_117 : vector<64xf32> to vector<64x1xf32>
    %eq3A_119 = vector.broadcast %broadcast_in_dim3A_118 : vector<64x1xf32> to vector<64x16384xf32>
    %eq3A_120 = arith.cmpf oeq, %select_n3A_115, %eq3A_119 : vector<64x16384xf32>
    %jit3A_121 = arith.constant 1073741824 : i32
    %broadcast_in_dim3A_122 = vector.broadcast %jit3A_121 : i32 to vector<64x16384xi32>
    %select_n3A_123 = arith.select %eq3A_120, %iota3A, %broadcast_in_dim3A_122 : vector<64x16384xi1>, vector<64x16384xi32>
    %reduce_min3A_124 = arith.constant dense<2147483647> : vector<64xi32>
    %reduce_min3A_125 = vector.multi_reduction <minsi>, %select_n3A_123, %reduce_min3A_124 [1] : vector<64x16384xi32> to vector<64xi32>
    %broadcast_in_dim3A_126 = vector.shape_cast %reduce_min3A_125 : vector<64xi32> to vector<64x1xi32>
    %swap3A_127 = arith.constant 0 : index
    %swap3A_128 = arith.constant 4 : index
    %swap3A_129 = vector.load %arg7[%swap3A_127, %swap3A_128] : memref<64x16xi32, #tpu.memory_space<vmem>>, vector<64x1xi32>
    tpu.vector_store %arg7[%swap3A_127, %swap3A_128], %broadcast_in_dim3A_126 {strides = array<i32>} : memref<64x16xi32, #tpu.memory_space<vmem>>, vector<64x1xi32>,
    %eq3A_130 = vector.broadcast %broadcast_in_dim3A_126 : vector<64x1xi32> to vector<64x16384xi32>
    %eq3A_131 = arith.cmpi eq, %iota3A, %eq3A_130 : vector<64x16384xi32>
    %jit3A_132 = arith.constant 0x7F800000 : f32
    %broadcast_in_dim3A_133 = vector.broadcast %jit3A_132 : f32 to vector<64x16384xf32>
    %select_n3A_134 = arith.select %eq3A_131, %broadcast_in_dim3A_133, %select_n3A_115 : vector<64x16384xi1>, vector<64x16384xf32>
    %reduce_min3A_135 = arith.constant dense<0x7F800000> : vector<64xf32>
    %reduce_min3A_136 = vector.multi_reduction <minimumf>, %select_n3A_134, %reduce_min3A_135 [1] : vector<64x16384xf32> to vector<64xf32>
    %broadcast_in_dim3A_137 = vector.shape_cast %reduce_min3A_136 : vector<64xf32> to vector<64x1xf32>
    %eq3A_138 = vector.broadcast %broadcast_in_dim3A_137 : vector<64x1xf32> to vector<64x16384xf32>
    %eq3A_139 = arith.cmpf oeq, %select_n3A_134, %eq3A_138 : vector<64x16384xf32>
    %jit3A_140 = arith.constant 1073741824 : i32
    %broadcast_in_dim3A_141 = vector.broadcast %jit3A_140 : i32 to vector<64x16384xi32>
    %select_n3A_142 = arith.select %eq3A_139, %iota3A, %broadcast_in_dim3A_141 : vector<64x16384xi1>, vector<64x16384xi32>
    %reduce_min3A_143 = arith.constant dense<2147483647> : vector<64xi32>
    %reduce_min3A_144 = vector.multi_reduction <minsi>, %select_n3A_142, %reduce_min3A_143 [1] : vector<64x16384xi32> to vector<64xi32>
    %broadcast_in_dim3A_145 = vector.shape_cast %reduce_min3A_144 : vector<64xi32> to vector<64x1xi32>
    %swap3A_146 = arith.constant 0 : index
    %swap3A_147 = arith.constant 5 : index
    %swap3A_148 = vector.load %arg7[%swap3A_146, %swap3A_147] : memref<64x16xi32, #tpu.memory_space<vmem>>, vector<64x1xi32>
    tpu.vector_store %arg7[%swap3A_146, %swap3A_147], %broadcast_in_dim3A_145 {strides = array<i32>} : memref<64x16xi32, #tpu.memory_space<vmem>>, vector<64x1xi32>,
    %eq3A_149 = vector.broadcast %broadcast_in_dim3A_145 : vector<64x1xi32> to vector<64x16384xi32>
    %eq3A_150 = arith.cmpi eq, %iota3A, %eq3A_149 : vector<64x16384xi32>
    %jit3A_151 = arith.constant 0x7F800000 : f32
    %broadcast_in_dim3A_152 = vector.broadcast %jit3A_151 : f32 to vector<64x16384xf32>
    %select_n3A_153 = arith.select %eq3A_150, %broadcast_in_dim3A_152, %select_n3A_134 : vector<64x16384xi1>, vector<64x16384xf32>
    %reduce_min3A_154 = arith.constant dense<0x7F800000> : vector<64xf32>
    %reduce_min3A_155 = vector.multi_reduction <minimumf>, %select_n3A_153, %reduce_min3A_154 [1] : vector<64x16384xf32> to vector<64xf32>
    %broadcast_in_dim3A_156 = vector.shape_cast %reduce_min3A_155 : vector<64xf32> to vector<64x1xf32>
    %eq3A_157 = vector.broadcast %broadcast_in_dim3A_156 : vector<64x1xf32> to vector<64x16384xf32>
    %eq3A_158 = arith.cmpf oeq, %select_n3A_153, %eq3A_157 : vector<64x16384xf32>
    %jit3A_159 = arith.constant 1073741824 : i32
    %broadcast_in_dim3A_160 = vector.broadcast %jit3A_159 : i32 to vector<64x16384xi32>
    %select_n3A_161 = arith.select %eq3A_158, %iota3A, %broadcast_in_dim3A_160 : vector<64x16384xi1>, vector<64x16384xi32>
    %reduce_min3A_162 = arith.constant dense<2147483647> : vector<64xi32>
    %reduce_min3A_163 = vector.multi_reduction <minsi>, %select_n3A_161, %reduce_min3A_162 [1] : vector<64x16384xi32> to vector<64xi32>
    %broadcast_in_dim3A_164 = vector.shape_cast %reduce_min3A_163 : vector<64xi32> to vector<64x1xi32>
    %swap3A_165 = arith.constant 0 : index
    %swap3A_166 = arith.constant 6 : index
    %swap3A_167 = vector.load %arg7[%swap3A_165, %swap3A_166] : memref<64x16xi32, #tpu.memory_space<vmem>>, vector<64x1xi32>
    tpu.vector_store %arg7[%swap3A_165, %swap3A_166], %broadcast_in_dim3A_164 {strides = array<i32>} : memref<64x16xi32, #tpu.memory_space<vmem>>, vector<64x1xi32>,
    %eq3A_168 = vector.broadcast %broadcast_in_dim3A_164 : vector<64x1xi32> to vector<64x16384xi32>
    %eq3A_169 = arith.cmpi eq, %iota3A, %eq3A_168 : vector<64x16384xi32>
    %jit3A_170 = arith.constant 0x7F800000 : f32
    %broadcast_in_dim3A_171 = vector.broadcast %jit3A_170 : f32 to vector<64x16384xf32>
    %select_n3A_172 = arith.select %eq3A_169, %broadcast_in_dim3A_171, %select_n3A_153 : vector<64x16384xi1>, vector<64x16384xf32>
    %reduce_min3A_173 = arith.constant dense<0x7F800000> : vector<64xf32>
    %reduce_min3A_174 = vector.multi_reduction <minimumf>, %select_n3A_172, %reduce_min3A_173 [1] : vector<64x16384xf32> to vector<64xf32>
    %broadcast_in_dim3A_175 = vector.shape_cast %reduce_min3A_174 : vector<64xf32> to vector<64x1xf32>
    %eq3A_176 = vector.broadcast %broadcast_in_dim3A_175 : vector<64x1xf32> to vector<64x16384xf32>
    %eq3A_177 = arith.cmpf oeq, %select_n3A_172, %eq3A_176 : vector<64x16384xf32>
    %jit3A_178 = arith.constant 1073741824 : i32
    %broadcast_in_dim3A_179 = vector.broadcast %jit3A_178 : i32 to vector<64x16384xi32>
    %select_n3A_180 = arith.select %eq3A_177, %iota3A, %broadcast_in_dim3A_179 : vector<64x16384xi1>, vector<64x16384xi32>
    %reduce_min3A_181 = arith.constant dense<2147483647> : vector<64xi32>
    %reduce_min3A_182 = vector.multi_reduction <minsi>, %select_n3A_180, %reduce_min3A_181 [1] : vector<64x16384xi32> to vector<64xi32>
    %broadcast_in_dim3A_183 = vector.shape_cast %reduce_min3A_182 : vector<64xi32> to vector<64x1xi32>
    %swap3A_184 = arith.constant 0 : index
    %swap3A_185 = arith.constant 7 : index
    %swap3A_186 = vector.load %arg7[%swap3A_184, %swap3A_185] : memref<64x16xi32, #tpu.memory_space<vmem>>, vector<64x1xi32>
    tpu.vector_store %arg7[%swap3A_184, %swap3A_185], %broadcast_in_dim3A_183 {strides = array<i32>} : memref<64x16xi32, #tpu.memory_space<vmem>>, vector<64x1xi32>,
    %eq3A_187 = vector.broadcast %broadcast_in_dim3A_183 : vector<64x1xi32> to vector<64x16384xi32>
    %eq3A_188 = arith.cmpi eq, %iota3A, %eq3A_187 : vector<64x16384xi32>
    %jit3A_189 = arith.constant 0x7F800000 : f32
    %broadcast_in_dim3A_190 = vector.broadcast %jit3A_189 : f32 to vector<64x16384xf32>
    %select_n3A_191 = arith.select %eq3A_188, %broadcast_in_dim3A_190, %select_n3A_172 : vector<64x16384xi1>, vector<64x16384xf32>
    %reduce_min3A_192 = arith.constant dense<0x7F800000> : vector<64xf32>
    %reduce_min3A_193 = vector.multi_reduction <minimumf>, %select_n3A_191, %reduce_min3A_192 [1] : vector<64x16384xf32> to vector<64xf32>
    %broadcast_in_dim3A_194 = vector.shape_cast %reduce_min3A_193 : vector<64xf32> to vector<64x1xf32>
    %eq3A_195 = vector.broadcast %broadcast_in_dim3A_194 : vector<64x1xf32> to vector<64x16384xf32>
    %eq3A_196 = arith.cmpf oeq, %select_n3A_191, %eq3A_195 : vector<64x16384xf32>
    %jit3A_197 = arith.constant 1073741824 : i32
    %broadcast_in_dim3A_198 = vector.broadcast %jit3A_197 : i32 to vector<64x16384xi32>
    %select_n3A_199 = arith.select %eq3A_196, %iota3A, %broadcast_in_dim3A_198 : vector<64x16384xi1>, vector<64x16384xi32>
    %reduce_min3A_200 = arith.constant dense<2147483647> : vector<64xi32>
    %reduce_min3A_201 = vector.multi_reduction <minsi>, %select_n3A_199, %reduce_min3A_200 [1] : vector<64x16384xi32> to vector<64xi32>
    %broadcast_in_dim3A_202 = vector.shape_cast %reduce_min3A_201 : vector<64xi32> to vector<64x1xi32>
    %swap3A_203 = arith.constant 0 : index
    %swap3A_204 = arith.constant 8 : index
    %swap3A_205 = vector.load %arg7[%swap3A_203, %swap3A_204] : memref<64x16xi32, #tpu.memory_space<vmem>>, vector<64x1xi32>
    tpu.vector_store %arg7[%swap3A_203, %swap3A_204], %broadcast_in_dim3A_202 {strides = array<i32>} : memref<64x16xi32, #tpu.memory_space<vmem>>, vector<64x1xi32>,
    %eq3A_206 = vector.broadcast %broadcast_in_dim3A_202 : vector<64x1xi32> to vector<64x16384xi32>
    %eq3A_207 = arith.cmpi eq, %iota3A, %eq3A_206 : vector<64x16384xi32>
    %jit3A_208 = arith.constant 0x7F800000 : f32
    %broadcast_in_dim3A_209 = vector.broadcast %jit3A_208 : f32 to vector<64x16384xf32>
    %select_n3A_210 = arith.select %eq3A_207, %broadcast_in_dim3A_209, %select_n3A_191 : vector<64x16384xi1>, vector<64x16384xf32>
    %reduce_min3A_211 = arith.constant dense<0x7F800000> : vector<64xf32>
    %reduce_min3A_212 = vector.multi_reduction <minimumf>, %select_n3A_210, %reduce_min3A_211 [1] : vector<64x16384xf32> to vector<64xf32>
    %broadcast_in_dim3A_213 = vector.shape_cast %reduce_min3A_212 : vector<64xf32> to vector<64x1xf32>
    %eq3A_214 = vector.broadcast %broadcast_in_dim3A_213 : vector<64x1xf32> to vector<64x16384xf32>
    %eq3A_215 = arith.cmpf oeq, %select_n3A_210, %eq3A_214 : vector<64x16384xf32>
    %jit3A_216 = arith.constant 1073741824 : i32
    %broadcast_in_dim3A_217 = vector.broadcast %jit3A_216 : i32 to vector<64x16384xi32>
    %select_n3A_218 = arith.select %eq3A_215, %iota3A, %broadcast_in_dim3A_217 : vector<64x16384xi1>, vector<64x16384xi32>
    %reduce_min3A_219 = arith.constant dense<2147483647> : vector<64xi32>
    %reduce_min3A_220 = vector.multi_reduction <minsi>, %select_n3A_218, %reduce_min3A_219 [1] : vector<64x16384xi32> to vector<64xi32>
    %broadcast_in_dim3A_221 = vector.shape_cast %reduce_min3A_220 : vector<64xi32> to vector<64x1xi32>
    %swap3A_222 = arith.constant 0 : index
    %swap3A_223 = arith.constant 9 : index
    %swap3A_224 = vector.load %arg7[%swap3A_222, %swap3A_223] : memref<64x16xi32, #tpu.memory_space<vmem>>, vector<64x1xi32>
    tpu.vector_store %arg7[%swap3A_222, %swap3A_223], %broadcast_in_dim3A_221 {strides = array<i32>} : memref<64x16xi32, #tpu.memory_space<vmem>>, vector<64x1xi32>,
    %eq3A_225 = vector.broadcast %broadcast_in_dim3A_221 : vector<64x1xi32> to vector<64x16384xi32>
    %eq3A_226 = arith.cmpi eq, %iota3A, %eq3A_225 : vector<64x16384xi32>
    %jit3A_227 = arith.constant 0x7F800000 : f32
    %broadcast_in_dim3A_228 = vector.broadcast %jit3A_227 : f32 to vector<64x16384xf32>
    %select_n3A_229 = arith.select %eq3A_226, %broadcast_in_dim3A_228, %select_n3A_210 : vector<64x16384xi1>, vector<64x16384xf32>
    %reduce_min3A_230 = arith.constant dense<0x7F800000> : vector<64xf32>
    %reduce_min3A_231 = vector.multi_reduction <minimumf>, %select_n3A_229, %reduce_min3A_230 [1] : vector<64x16384xf32> to vector<64xf32>
    %broadcast_in_dim3A_232 = vector.shape_cast %reduce_min3A_231 : vector<64xf32> to vector<64x1xf32>
    %eq3A_233 = vector.broadcast %broadcast_in_dim3A_232 : vector<64x1xf32> to vector<64x16384xf32>
    %eq3A_234 = arith.cmpf oeq, %select_n3A_229, %eq3A_233 : vector<64x16384xf32>
    %jit3A_235 = arith.constant 1073741824 : i32
    %broadcast_in_dim3A_236 = vector.broadcast %jit3A_235 : i32 to vector<64x16384xi32>
    %select_n3A_237 = arith.select %eq3A_234, %iota3A, %broadcast_in_dim3A_236 : vector<64x16384xi1>, vector<64x16384xi32>
    %reduce_min3A_238 = arith.constant dense<2147483647> : vector<64xi32>
    %reduce_min3A_239 = vector.multi_reduction <minsi>, %select_n3A_237, %reduce_min3A_238 [1] : vector<64x16384xi32> to vector<64xi32>
    %broadcast_in_dim3A_240 = vector.shape_cast %reduce_min3A_239 : vector<64xi32> to vector<64x1xi32>
    %swap3A_241 = arith.constant 0 : index
    %swap3A_242 = arith.constant 10 : index
    %swap3A_243 = vector.load %arg7[%swap3A_241, %swap3A_242] : memref<64x16xi32, #tpu.memory_space<vmem>>, vector<64x1xi32>
    tpu.vector_store %arg7[%swap3A_241, %swap3A_242], %broadcast_in_dim3A_240 {strides = array<i32>} : memref<64x16xi32, #tpu.memory_space<vmem>>, vector<64x1xi32>,
    %eq3A_244 = vector.broadcast %broadcast_in_dim3A_240 : vector<64x1xi32> to vector<64x16384xi32>
    %eq3A_245 = arith.cmpi eq, %iota3A, %eq3A_244 : vector<64x16384xi32>
    %jit3A_246 = arith.constant 0x7F800000 : f32
    %broadcast_in_dim3A_247 = vector.broadcast %jit3A_246 : f32 to vector<64x16384xf32>
    %select_n3A_248 = arith.select %eq3A_245, %broadcast_in_dim3A_247, %select_n3A_229 : vector<64x16384xi1>, vector<64x16384xf32>
    %reduce_min3A_249 = arith.constant dense<0x7F800000> : vector<64xf32>
    %reduce_min3A_250 = vector.multi_reduction <minimumf>, %select_n3A_248, %reduce_min3A_249 [1] : vector<64x16384xf32> to vector<64xf32>
    %broadcast_in_dim3A_251 = vector.shape_cast %reduce_min3A_250 : vector<64xf32> to vector<64x1xf32>
    %eq3A_252 = vector.broadcast %broadcast_in_dim3A_251 : vector<64x1xf32> to vector<64x16384xf32>
    %eq3A_253 = arith.cmpf oeq, %select_n3A_248, %eq3A_252 : vector<64x16384xf32>
    %jit3A_254 = arith.constant 1073741824 : i32
    %broadcast_in_dim3A_255 = vector.broadcast %jit3A_254 : i32 to vector<64x16384xi32>
    %select_n3A_256 = arith.select %eq3A_253, %iota3A, %broadcast_in_dim3A_255 : vector<64x16384xi1>, vector<64x16384xi32>
    %reduce_min3A_257 = arith.constant dense<2147483647> : vector<64xi32>
    %reduce_min3A_258 = vector.multi_reduction <minsi>, %select_n3A_256, %reduce_min3A_257 [1] : vector<64x16384xi32> to vector<64xi32>
    %broadcast_in_dim3A_259 = vector.shape_cast %reduce_min3A_258 : vector<64xi32> to vector<64x1xi32>
    %swap3A_260 = arith.constant 0 : index
    %swap3A_261 = arith.constant 11 : index
    %swap3A_262 = vector.load %arg7[%swap3A_260, %swap3A_261] : memref<64x16xi32, #tpu.memory_space<vmem>>, vector<64x1xi32>
    tpu.vector_store %arg7[%swap3A_260, %swap3A_261], %broadcast_in_dim3A_259 {strides = array<i32>} : memref<64x16xi32, #tpu.memory_space<vmem>>, vector<64x1xi32>,
    %eq3A_263 = vector.broadcast %broadcast_in_dim3A_259 : vector<64x1xi32> to vector<64x16384xi32>
    %eq3A_264 = arith.cmpi eq, %iota3A, %eq3A_263 : vector<64x16384xi32>
    %jit3A_265 = arith.constant 0x7F800000 : f32
    %broadcast_in_dim3A_266 = vector.broadcast %jit3A_265 : f32 to vector<64x16384xf32>
    %select_n3A_267 = arith.select %eq3A_264, %broadcast_in_dim3A_266, %select_n3A_248 : vector<64x16384xi1>, vector<64x16384xf32>
    %reduce_min3A_268 = arith.constant dense<0x7F800000> : vector<64xf32>
    %reduce_min3A_269 = vector.multi_reduction <minimumf>, %select_n3A_267, %reduce_min3A_268 [1] : vector<64x16384xf32> to vector<64xf32>
    %broadcast_in_dim3A_270 = vector.shape_cast %reduce_min3A_269 : vector<64xf32> to vector<64x1xf32>
    %eq3A_271 = vector.broadcast %broadcast_in_dim3A_270 : vector<64x1xf32> to vector<64x16384xf32>
    %eq3A_272 = arith.cmpf oeq, %select_n3A_267, %eq3A_271 : vector<64x16384xf32>
    %jit3A_273 = arith.constant 1073741824 : i32
    %broadcast_in_dim3A_274 = vector.broadcast %jit3A_273 : i32 to vector<64x16384xi32>
    %select_n3A_275 = arith.select %eq3A_272, %iota3A, %broadcast_in_dim3A_274 : vector<64x16384xi1>, vector<64x16384xi32>
    %reduce_min3A_276 = arith.constant dense<2147483647> : vector<64xi32>
    %reduce_min3A_277 = vector.multi_reduction <minsi>, %select_n3A_275, %reduce_min3A_276 [1] : vector<64x16384xi32> to vector<64xi32>
    %broadcast_in_dim3A_278 = vector.shape_cast %reduce_min3A_277 : vector<64xi32> to vector<64x1xi32>
    %swap3A_279 = arith.constant 0 : index
    %swap3A_280 = arith.constant 12 : index
    %swap3A_281 = vector.load %arg7[%swap3A_279, %swap3A_280] : memref<64x16xi32, #tpu.memory_space<vmem>>, vector<64x1xi32>
    tpu.vector_store %arg7[%swap3A_279, %swap3A_280], %broadcast_in_dim3A_278 {strides = array<i32>} : memref<64x16xi32, #tpu.memory_space<vmem>>, vector<64x1xi32>,
    %eq3A_282 = vector.broadcast %broadcast_in_dim3A_278 : vector<64x1xi32> to vector<64x16384xi32>
    %eq3A_283 = arith.cmpi eq, %iota3A, %eq3A_282 : vector<64x16384xi32>
    %jit3A_284 = arith.constant 0x7F800000 : f32
    %broadcast_in_dim3A_285 = vector.broadcast %jit3A_284 : f32 to vector<64x16384xf32>
    %select_n3A_286 = arith.select %eq3A_283, %broadcast_in_dim3A_285, %select_n3A_267 : vector<64x16384xi1>, vector<64x16384xf32>
    %reduce_min3A_287 = arith.constant dense<0x7F800000> : vector<64xf32>
    %reduce_min3A_288 = vector.multi_reduction <minimumf>, %select_n3A_286, %reduce_min3A_287 [1] : vector<64x16384xf32> to vector<64xf32>
    %broadcast_in_dim3A_289 = vector.shape_cast %reduce_min3A_288 : vector<64xf32> to vector<64x1xf32>
    %eq3A_290 = vector.broadcast %broadcast_in_dim3A_289 : vector<64x1xf32> to vector<64x16384xf32>
    %eq3A_291 = arith.cmpf oeq, %select_n3A_286, %eq3A_290 : vector<64x16384xf32>
    %jit3A_292 = arith.constant 1073741824 : i32
    %broadcast_in_dim3A_293 = vector.broadcast %jit3A_292 : i32 to vector<64x16384xi32>
    %select_n3A_294 = arith.select %eq3A_291, %iota3A, %broadcast_in_dim3A_293 : vector<64x16384xi1>, vector<64x16384xi32>
    %reduce_min3A_295 = arith.constant dense<2147483647> : vector<64xi32>
    %reduce_min3A_296 = vector.multi_reduction <minsi>, %select_n3A_294, %reduce_min3A_295 [1] : vector<64x16384xi32> to vector<64xi32>
    %broadcast_in_dim3A_297 = vector.shape_cast %reduce_min3A_296 : vector<64xi32> to vector<64x1xi32>
    %swap3A_298 = arith.constant 0 : index
    %swap3A_299 = arith.constant 13 : index
    %swap3A_300 = vector.load %arg7[%swap3A_298, %swap3A_299] : memref<64x16xi32, #tpu.memory_space<vmem>>, vector<64x1xi32>
    tpu.vector_store %arg7[%swap3A_298, %swap3A_299], %broadcast_in_dim3A_297 {strides = array<i32>} : memref<64x16xi32, #tpu.memory_space<vmem>>, vector<64x1xi32>,
    %eq3A_301 = vector.broadcast %broadcast_in_dim3A_297 : vector<64x1xi32> to vector<64x16384xi32>
    %eq3A_302 = arith.cmpi eq, %iota3A, %eq3A_301 : vector<64x16384xi32>
    %jit3A_303 = arith.constant 0x7F800000 : f32
    %broadcast_in_dim3A_304 = vector.broadcast %jit3A_303 : f32 to vector<64x16384xf32>
    %select_n3A_305 = arith.select %eq3A_302, %broadcast_in_dim3A_304, %select_n3A_286 : vector<64x16384xi1>, vector<64x16384xf32>
    %reduce_min3A_306 = arith.constant dense<0x7F800000> : vector<64xf32>
    %reduce_min3A_307 = vector.multi_reduction <minimumf>, %select_n3A_305, %reduce_min3A_306 [1] : vector<64x16384xf32> to vector<64xf32>
    %broadcast_in_dim3A_308 = vector.shape_cast %reduce_min3A_307 : vector<64xf32> to vector<64x1xf32>
    %eq3A_309 = vector.broadcast %broadcast_in_dim3A_308 : vector<64x1xf32> to vector<64x16384xf32>
    %eq3A_310 = arith.cmpf oeq, %select_n3A_305, %eq3A_309 : vector<64x16384xf32>
    %jit3A_311 = arith.constant 1073741824 : i32
    %broadcast_in_dim3A_312 = vector.broadcast %jit3A_311 : i32 to vector<64x16384xi32>
    %select_n3A_313 = arith.select %eq3A_310, %iota3A, %broadcast_in_dim3A_312 : vector<64x16384xi1>, vector<64x16384xi32>
    %reduce_min3A_314 = arith.constant dense<2147483647> : vector<64xi32>
    %reduce_min3A_315 = vector.multi_reduction <minsi>, %select_n3A_313, %reduce_min3A_314 [1] : vector<64x16384xi32> to vector<64xi32>
    %broadcast_in_dim3A_316 = vector.shape_cast %reduce_min3A_315 : vector<64xi32> to vector<64x1xi32>
    %swap3A_317 = arith.constant 0 : index
    %swap3A_318 = arith.constant 14 : index
    %swap3A_319 = vector.load %arg7[%swap3A_317, %swap3A_318] : memref<64x16xi32, #tpu.memory_space<vmem>>, vector<64x1xi32>
    tpu.vector_store %arg7[%swap3A_317, %swap3A_318], %broadcast_in_dim3A_316 {strides = array<i32>} : memref<64x16xi32, #tpu.memory_space<vmem>>, vector<64x1xi32>,
    %eq3A_320 = vector.broadcast %broadcast_in_dim3A_316 : vector<64x1xi32> to vector<64x16384xi32>
    %eq3A_321 = arith.cmpi eq, %iota3A, %eq3A_320 : vector<64x16384xi32>
    %jit3A_322 = arith.constant 0x7F800000 : f32
    %broadcast_in_dim3A_323 = vector.broadcast %jit3A_322 : f32 to vector<64x16384xf32>
    %select_n3A_324 = arith.select %eq3A_321, %broadcast_in_dim3A_323, %select_n3A_305 : vector<64x16384xi1>, vector<64x16384xf32>
    %reduce_min3A_325 = arith.constant dense<0x7F800000> : vector<64xf32>
    %reduce_min3A_326 = vector.multi_reduction <minimumf>, %select_n3A_324, %reduce_min3A_325 [1] : vector<64x16384xf32> to vector<64xf32>
    %broadcast_in_dim3A_327 = vector.shape_cast %reduce_min3A_326 : vector<64xf32> to vector<64x1xf32>
    %eq3A_328 = vector.broadcast %broadcast_in_dim3A_327 : vector<64x1xf32> to vector<64x16384xf32>
    %eq3A_329 = arith.cmpf oeq, %select_n3A_324, %eq3A_328 : vector<64x16384xf32>
    %jit3A_330 = arith.constant 1073741824 : i32
    %broadcast_in_dim3A_331 = vector.broadcast %jit3A_330 : i32 to vector<64x16384xi32>
    %select_n3A_332 = arith.select %eq3A_329, %iota3A, %broadcast_in_dim3A_331 : vector<64x16384xi1>, vector<64x16384xi32>
    %reduce_min3A_333 = arith.constant dense<2147483647> : vector<64xi32>
    %reduce_min3A_334 = vector.multi_reduction <minsi>, %select_n3A_332, %reduce_min3A_333 [1] : vector<64x16384xi32> to vector<64xi32>
    %broadcast_in_dim3A_335 = vector.shape_cast %reduce_min3A_334 : vector<64xi32> to vector<64x1xi32>
    %swap3A_336 = arith.constant 0 : index
    %swap3A_337 = arith.constant 15 : index
    %swap3A_338 = vector.load %arg7[%swap3A_336, %swap3A_337] : memref<64x16xi32, #tpu.memory_space<vmem>>, vector<64x1xi32>
    tpu.vector_store %arg7[%swap3A_336, %swap3A_337], %broadcast_in_dim3A_335 {strides = array<i32>} : memref<64x16xi32, #tpu.memory_space<vmem>>, vector<64x1xi32>,
    return
  }
  func.func @transform_0(%arg0: i32) -> (i32, i32) {
    %c0_i32 = arith.constant 0 : i32
    %c0_i32_0 = arith.constant 0 : i32
    %c0_i32_1 = arith.constant 0 : i32
    return %c0_i32, %c0_i32_0 : i32, i32
  }
  func.func @transform_1(%arg0: i32) -> (i32, i32) {
    %c0_i32 = arith.constant 0 : i32
    %c0_i32_0 = arith.constant 0 : i32
    %c0_i32_1 = arith.constant 0 : i32
    return %c0_i32, %c0_i32_0 : i32, i32
  }
  func.func @transform_2(%arg0: i32) -> (i32, i32) {
    %c0_i32 = arith.constant 0 : i32
    %c0_i32_0 = arith.constant 0 : i32
    %c0_i32_1 = arith.constant 0 : i32
    return %c0_i32, %c0_i32_0 : i32, i32
  }
  func.func @transform_3(%arg0: i32) -> (i32, i32) {
    %c0_i32 = arith.constant 0 : i32
    %c0_i32_0 = arith.constant 0 : i32
    return %arg0, %c0_i32 : i32, i32
  }
  func.func @transform_4(%arg0: i32) -> (i32, i32) {
    %c0_i32 = arith.constant 0 : i32
    %c0_i32_0 = arith.constant 0 : i32
    return %arg0, %c0_i32 : i32, i32
  }
  func.func @transform_5(%arg0: i32) -> (i32, i32) {
    %c0_i32 = arith.constant 0 : i32
    %c0_i32_0 = arith.constant 0 : i32
    return %arg0, %c0_i32 : i32, i32
  }
  func.func @transform_6(%arg0: i32) -> (i32, i32) {
    %c0_i32 = arith.constant 0 : i32
    %c0_i32_0 = arith.constant 0 : i32
    return %arg0, %c0_i32 : i32, i32
  }
}

module attributes {stable_mosaic.version = 14 : i64} {
  func.func @_pool_kernel(%arg0: i32, %arg1: memref<128x16x128xf32, #tpu.memory_space<vmem>>, %arg2: memref<128x1xf32, #tpu.memory_space<vmem>>, %arg3: memref<128x1xf32, #tpu.memory_space<vmem>>, %arg4: memref<128x1xf32, #tpu.memory_space<vmem>>, %arg5: memref<67x128xf32, #tpu.memory_space<vmem>>, %arg6: memref<1x128xf32, #tpu.memory_space<vmem>>, %arg7: memref<128x128xf32, #tpu.memory_space<vmem>>) attributes {dimension_semantics = [#tpu.dimension_semantics<arbitrary>], iteration_bounds = array<i64: 32>, scalar_prefetch = 0 : i64, scratch_operands = 0 : i64, tpu.core_type = #tpu.core_type<tc>, window_params = [{transform_indices = @transform_0, window_bounds = array<i64: 128, 16, 128>}, {transform_indices = @transform_1, window_bounds = array<i64: 128, 1>}, {transform_indices = @transform_2, window_bounds = array<i64: 128, 1>}, {transform_indices = @transform_3, window_bounds = array<i64: 128, 1>}, {pipeline_mode = #tpu.pipeline_mode<synchronous>, transform_indices = @transform_4, window_bounds = array<i64: 67, 128>}, {pipeline_mode = #tpu.pipeline_mode<synchronous>, transform_indices = @transform_5, window_bounds = array<i64: 1, 128>}, {transform_indices = @transform_6, window_bounds = array<i64: 128, 128>}]} {
    %get3A = arith.constant 0 : index
    %get3A_0 = arith.constant 0 : index
    %get3A_1 = vector.load %arg2[%get3A, %get3A_0] : memref<128x1xf32, #tpu.memory_space<vmem>>, vector<128x1xf32>
    %broadcast_in_dim3A = vector.shape_cast %get3A_1 : vector<128x1xf32> to vector<128x1x1xf32>
    %get3A_2 = arith.constant 0 : index
    %get3A_3 = arith.constant 0 : index
    %get3A_4 = vector.load %arg3[%get3A_2, %get3A_3] : memref<128x1xf32, #tpu.memory_space<vmem>>, vector<128x1xf32>
    %broadcast_in_dim3A_5 = vector.shape_cast %get3A_4 : vector<128x1xf32> to vector<128x1x1xf32>
    %get3A_6 = arith.constant 0 : index
    %get3A_7 = arith.constant 0 : index
    %get3A_8 = vector.load %arg4[%get3A_6, %get3A_7] : memref<128x1xf32, #tpu.memory_space<vmem>>, vector<128x1xf32>
    %broadcast_in_dim3A_9 = vector.shape_cast %get3A_8 : vector<128x1xf32> to vector<128x1x1xf32>
    %get3A_10 = arith.constant 0 : index
    %get3A_11 = arith.constant 0 : index
    %get3A_12 = arith.constant 64 : index
    %get3A_13 = vector.load %arg1[%get3A_10, %get3A_11, %get3A_12] : memref<128x16x128xf32, #tpu.memory_space<vmem>>, vector<128x16x1xf32>
    %sub3A = vector.broadcast %broadcast_in_dim3A : vector<128x1x1xf32> to vector<128x16x1xf32>
    %sub3A_14 = arith.subf %get3A_13, %sub3A : vector<128x16x1xf32>
    %get3A_15 = arith.constant 0 : index
    %get3A_16 = arith.constant 0 : index
    %get3A_17 = arith.constant 65 : index
    %get3A_18 = vector.load %arg1[%get3A_15, %get3A_16, %get3A_17] : memref<128x16x128xf32, #tpu.memory_space<vmem>>, vector<128x16x1xf32>
    %sub3A_19 = vector.broadcast %broadcast_in_dim3A_5 : vector<128x1x1xf32> to vector<128x16x1xf32>
    %sub3A_20 = arith.subf %get3A_18, %sub3A_19 : vector<128x16x1xf32>
    %get3A_21 = arith.constant 0 : index
    %get3A_22 = arith.constant 0 : index
    %get3A_23 = arith.constant 66 : index
    %get3A_24 = vector.load %arg1[%get3A_21, %get3A_22, %get3A_23] : memref<128x16x128xf32, #tpu.memory_space<vmem>>, vector<128x16x1xf32>
    %sub3A_25 = vector.broadcast %broadcast_in_dim3A_9 : vector<128x1x1xf32> to vector<128x16x1xf32>
    %sub3A_26 = arith.subf %get3A_24, %sub3A_25 : vector<128x16x1xf32>
    %mul3A = arith.mulf %sub3A_14, %sub3A_14 : vector<128x16x1xf32>
    %mul3A_27 = arith.mulf %sub3A_20, %sub3A_20 : vector<128x16x1xf32>
    %add3A = arith.addf %mul3A, %mul3A_27 : vector<128x16x1xf32>
    %mul3A_28 = arith.mulf %sub3A_26, %sub3A_26 : vector<128x16x1xf32>
    %add3A_29 = arith.addf %add3A, %mul3A_28 : vector<128x16x1xf32>
    %reduce_max3A = arith.constant dense<0xFF800000> : vector<128x1xf32>
    %reduce_max3A_30 = vector.multi_reduction <maximumf>, %add3A_29, %reduce_max3A [1] : vector<128x16x1xf32> to vector<128x1xf32>
    %broadcast_in_dim3A_31 = vector.shape_cast %reduce_max3A_30 : vector<128x1xf32> to vector<128x1x1xf32>
    %sqrt3A = math.sqrt %broadcast_in_dim3A_31 : vector<128x1x1xf32>
    %add3A_32 = arith.constant 9.99999993E-9 : f32
    %add3A_33 = vector.broadcast %add3A_32 : f32 to vector<128x1x1xf32>
    %add3A_34 = arith.addf %sqrt3A, %add3A_33 : vector<128x1x1xf32>
    %reduce_max3A_35 = arith.constant dense<0xFF800000> : vector<128x1xf32>
    %reduce_max3A_36 = vector.multi_reduction <maximumf>, %sub3A_14, %reduce_max3A_35 [1] : vector<128x16x1xf32> to vector<128x1xf32>
    %broadcast_in_dim3A_37 = vector.shape_cast %reduce_max3A_36 : vector<128x1xf32> to vector<128x1x1xf32>
    %div3A = arith.divf %broadcast_in_dim3A_37, %add3A_34 : vector<128x1x1xf32>
    %reduce_max3A_38 = arith.constant dense<0xFF800000> : vector<128x1xf32>
    %reduce_max3A_39 = vector.multi_reduction <maximumf>, %sub3A_20, %reduce_max3A_38 [1] : vector<128x16x1xf32> to vector<128x1xf32>
    %broadcast_in_dim3A_40 = vector.shape_cast %reduce_max3A_39 : vector<128x1xf32> to vector<128x1x1xf32>
    %div3A_41 = arith.divf %broadcast_in_dim3A_40, %add3A_34 : vector<128x1x1xf32>
    %reduce_max3A_42 = arith.constant dense<0xFF800000> : vector<128x1xf32>
    %reduce_max3A_43 = vector.multi_reduction <maximumf>, %sub3A_26, %reduce_max3A_42 [1] : vector<128x16x1xf32> to vector<128x1xf32>
    %broadcast_in_dim3A_44 = vector.shape_cast %reduce_max3A_43 : vector<128x1xf32> to vector<128x1x1xf32>
    %div3A_45 = arith.divf %broadcast_in_dim3A_44, %add3A_34 : vector<128x1x1xf32>
    %get3A_46 = arith.constant 0 : index
    %get3A_47 = arith.constant 0 : index
    %get3A_48 = arith.constant 0 : index
    %get3A_49 = vector.load %arg1[%get3A_46, %get3A_47, %get3A_48] : memref<128x16x128xf32, #tpu.memory_space<vmem>>, vector<128x16x64xf32>
    %reduce_max3A_50 = arith.constant dense<0xFF800000> : vector<128x64xf32>
    %reduce_max3A_51 = vector.multi_reduction <maximumf>, %get3A_49, %reduce_max3A_50 [1] : vector<128x16x64xf32> to vector<128x64xf32>
    %squeeze3A = vector.shape_cast %div3A : vector<128x1x1xf32> to vector<128x1xf32>
    %squeeze3A_52 = vector.shape_cast %div3A_41 : vector<128x1x1xf32> to vector<128x1xf32>
    %squeeze3A_53 = vector.shape_cast %div3A_45 : vector<128x1x1xf32> to vector<128x1xf32>
    %concatenate3A = tpu.concatenate %squeeze3A, %squeeze3A_52, %squeeze3A_53, %reduce_max3A_51 in 1 : vector<128x1xf32>, vector<128x1xf32>, vector<128x1xf32>, vector<128x64xf32> -> vector<128x67xf32>
    %get3A_54 = arith.constant 0 : index
    %get3A_55 = arith.constant 0 : index
    %get3A_56 = vector.load %arg5[%get3A_54, %get3A_55] : memref<67x128xf32, #tpu.memory_space<vmem>>, vector<67x128xf32>
    %dot_general3A = arith.constant dense<0.000000e+00> : vector<128x128xf32>
    %dot_general3A_57 = tpu.matmul %concatenate3A, %get3A_56, %dot_general3A {dimension_numbers = #tpu.dot_dimension_numbers<[1], [0], [0], [1], [0, 0, 1, 1], [], []>, transpose_lhs_hint = false} : vector<128x67xf32>, vector<67x128xf32>, vector<128x128xf32> -> vector<128x128xf32>
    %get3A_58 = arith.constant 0 : index
    %get3A_59 = arith.constant 0 : index
    %get3A_60 = vector.load %arg6[%get3A_58, %get3A_59] : memref<1x128xf32, #tpu.memory_space<vmem>>, vector<1x128xf32>
    %add3A_61 = vector.broadcast %get3A_60 : vector<1x128xf32> to vector<128x128xf32>
    %add3A_62 = arith.addf %dot_general3A_57, %add3A_61 : vector<128x128xf32>
    %swap3A = arith.constant 0 : index
    %swap3A_63 = arith.constant 0 : index
    %swap3A_64 = vector.load %arg7[%swap3A, %swap3A_63] : memref<128x128xf32, #tpu.memory_space<vmem>>, vector<128x128xf32>
    tpu.vector_store %arg7[%swap3A, %swap3A_63], %add3A_62 {strides = array<i32>} : memref<128x128xf32, #tpu.memory_space<vmem>>, vector<128x128xf32>,
    return
  }
  func.func @transform_0(%arg0: i32) -> (i32, i32, i32) {
    %c0_i32 = arith.constant 0 : i32
    %c0_i32_0 = arith.constant 0 : i32
    %c0_i32_1 = arith.constant 0 : i32
    return %arg0, %c0_i32, %c0_i32_0 : i32, i32, i32
  }
  func.func @transform_1(%arg0: i32) -> (i32, i32) {
    %c0_i32 = arith.constant 0 : i32
    %c0_i32_0 = arith.constant 0 : i32
    return %arg0, %c0_i32 : i32, i32
  }
  func.func @transform_2(%arg0: i32) -> (i32, i32) {
    %c0_i32 = arith.constant 0 : i32
    %c0_i32_0 = arith.constant 0 : i32
    return %arg0, %c0_i32 : i32, i32
  }
  func.func @transform_3(%arg0: i32) -> (i32, i32) {
    %c0_i32 = arith.constant 0 : i32
    %c0_i32_0 = arith.constant 0 : i32
    return %arg0, %c0_i32 : i32, i32
  }
  func.func @transform_4(%arg0: i32) -> (i32, i32) {
    %c0_i32 = arith.constant 0 : i32
    %c0_i32_0 = arith.constant 0 : i32
    %c0_i32_1 = arith.constant 0 : i32
    return %c0_i32, %c0_i32_0 : i32, i32
  }
  func.func @transform_5(%arg0: i32) -> (i32, i32) {
    %c0_i32 = arith.constant 0 : i32
    %c0_i32_0 = arith.constant 0 : i32
    %c0_i32_1 = arith.constant 0 : i32
    return %c0_i32, %c0_i32_0 : i32, i32
  }
  func.func @transform_6(%arg0: i32) -> (i32, i32) {
    %c0_i32 = arith.constant 0 : i32
    %c0_i32_0 = arith.constant 0 : i32
    return %arg0, %c0_i32 : i32, i32
  }
}

module attributes {stable_mosaic.version = 14 : i64} {
  func.func @_bn_kernel(%arg0: memref<4096x128xf32, #tpu.memory_space<vmem>>, %arg1: memref<1x128xf32, #tpu.memory_space<vmem>>, %arg2: memref<1x128xf32, #tpu.memory_space<vmem>>, %arg3: memref<4096x128xf32, #tpu.memory_space<vmem>>) attributes {dimension_semantics = [], scalar_prefetch = 0 : i64, scratch_operands = 0 : i64, tpu.core_type = #tpu.core_type<tc>} {
    %get3A = arith.constant 0 : index
    %get3A_0 = arith.constant 0 : index
    %get3A_1 = vector.load %arg0[%get3A, %get3A_0] : memref<4096x128xf32, #tpu.memory_space<vmem>>, vector<4096x128xf32>
    %reduce_sum3A = arith.constant dense<0.000000e+00> : vector<128xf32>
    %reduce_sum3A_2 = vector.multi_reduction <add>, %get3A_1, %reduce_sum3A [0] : vector<4096x128xf32> to vector<128xf32>
    %broadcast_in_dim3A = vector.shape_cast %reduce_sum3A_2 : vector<128xf32> to vector<1x128xf32>
    %div3A = arith.constant 4.096000e+03 : f32
    %div3A_3 = vector.broadcast %div3A : f32 to vector<1x128xf32>
    %div3A_4 = arith.divf %broadcast_in_dim3A, %div3A_3 : vector<1x128xf32>
    %sub3A = vector.broadcast %div3A_4 : vector<1x128xf32> to vector<4096x128xf32>
    %sub3A_5 = arith.subf %get3A_1, %sub3A : vector<4096x128xf32>
    %integer_pow3A = arith.mulf %sub3A_5, %sub3A_5 : vector<4096x128xf32>
    %reduce_sum3A_6 = arith.constant dense<0.000000e+00> : vector<128xf32>
    %reduce_sum3A_7 = vector.multi_reduction <add>, %integer_pow3A, %reduce_sum3A_6 [0] : vector<4096x128xf32> to vector<128xf32>
    %broadcast_in_dim3A_8 = vector.shape_cast %reduce_sum3A_7 : vector<128xf32> to vector<1x128xf32>
    %div3A_9 = arith.constant 4.096000e+03 : f32
    %div3A_10 = vector.broadcast %div3A_9 : f32 to vector<1x128xf32>
    %div3A_11 = arith.divf %broadcast_in_dim3A_8, %div3A_10 : vector<1x128xf32>
    %sub3A_12 = vector.broadcast %div3A_4 : vector<1x128xf32> to vector<4096x128xf32>
    %sub3A_13 = arith.subf %get3A_1, %sub3A_12 : vector<4096x128xf32>
    %add3A = arith.constant 9.99999974E-6 : f32
    %add3A_14 = vector.broadcast %add3A : f32 to vector<1x128xf32>
    %add3A_15 = arith.addf %div3A_11, %add3A_14 : vector<1x128xf32>
    %sqrt3A = math.sqrt %add3A_15 : vector<1x128xf32>
    %div3A_16 = vector.broadcast %sqrt3A : vector<1x128xf32> to vector<4096x128xf32>
    %div3A_17 = arith.divf %sub3A_13, %div3A_16 : vector<4096x128xf32>
    %get3A_18 = arith.constant 0 : index
    %get3A_19 = arith.constant 0 : index
    %get3A_20 = vector.load %arg1[%get3A_18, %get3A_19] : memref<1x128xf32, #tpu.memory_space<vmem>>, vector<1x128xf32>
    %mul3A = vector.broadcast %get3A_20 : vector<1x128xf32> to vector<4096x128xf32>
    %mul3A_21 = arith.mulf %div3A_17, %mul3A : vector<4096x128xf32>
    %get3A_22 = arith.constant 0 : index
    %get3A_23 = arith.constant 0 : index
    %get3A_24 = vector.load %arg2[%get3A_22, %get3A_23] : memref<1x128xf32, #tpu.memory_space<vmem>>, vector<1x128xf32>
    %add3A_25 = vector.broadcast %get3A_24 : vector<1x128xf32> to vector<4096x128xf32>
    %add3A_26 = arith.addf %mul3A_21, %add3A_25 : vector<4096x128xf32>
    %max3A = arith.constant 0.000000e+00 : f32
    %max3A_27 = vector.broadcast %max3A : f32 to vector<4096x128xf32>
    %max3A_28 = arith.maximumf %add3A_26, %max3A_27 : vector<4096x128xf32>
    %swap3A = arith.constant 0 : index
    %swap3A_29 = arith.constant 0 : index
    %swap3A_30 = vector.load %arg3[%swap3A, %swap3A_29] : memref<4096x128xf32, #tpu.memory_space<vmem>>, vector<4096x128xf32>
    tpu.vector_store %arg3[%swap3A, %swap3A_29], %max3A_28 {strides = array<i32>} : memref<4096x128xf32, #tpu.memory_space<vmem>>, vector<4096x128xf32>,
    return
  }
}

</mosaic_0001>

<sc_bundles>
// kernel: kernel.7.cloned.1.call-start
scs
__scs_entry_jumppad:
0x0: {  	(pc) =	sbr.rel $0x88, $3  }
0x1: {  	(tag) =	ssettag $0x0;
	lr =	simm.s32 $0x1  }
0x2: {  	[smem:$0x3F9B] =	sst lr;
	_ =	strace $0xD0000000  }
0x3: {  	_ = 	snop  }
0x4: {  	_ = 	snop  }
0x5: {  	_ = 	snop  }
0x6: {  	_ = 	snop  }
0x7: {  	_ = 	snop  }
__scs_overlays_trampoline_lowered:
0x8: {  	[smem:$0x3FAA] =	sst s0  }
0x9: {  	[smem:$0x3FAB] =	sst s1  }
0xa: {  	[smem:$0x3FAC] =	sst s2  }
0xb: {  	[smem:$0x3FAD] =	sst s3  }
0xc: {  	[smem:$0x3FAE] =	sst s4  }
0xd: {  	[smem:$0x3FAF] =	sst s5  }
0xe: {  	[smem:$0x3FB0] =	sst s6  }
0xf: {  	[smem:$0x3FB1] =	sst s7  }
0x10: {  	[smem:$0x3FB2] =	sst s8  }
0x11: {  	[smem:$0x3FB3] =	sst s9;
	s0 =	simm.s32 @!p0 $0x0  }
0x12: {  	s1 =	sld [smem:$0x3F99];
	s0 =	simm.s32 @p0 $0x1  }
0x13: {  	[smem:$0x3FB4] =	sst s0;
	s0 =	simm.s32 @!p1 $0x0  }
0x14: {  	s2 =	sld [smem:$0x3F98];
	s0 =	simm.s32 @p1 $0x1  }
0x15: {  	[smem:$0x3FB5] =	sst s0;
	s0 =	simm.s32 @!p2 $0x0  }
0x16: {  	s3 =	sld [smem:$0x3FDB];
	s0 =	simm.s32 @p2 $0x1  }
0x17: {  	s4 =	simm.s32 $0x1BF5;
	[smem:$0x3FB7] =	sst s0  }
0x18: {  	s0 =	sld [smem:$0x3F9A];
	_ =	swait.ge [sflag:s4], $0x0  }
0x19: {  	s7 =	sld [smem:$0x3F9B]  }
0x1a: {  	s8 =	sadd.s32 $0xFFFFE003, lr  }
0x1b: {  	s9 =	sadd.s32 $0xFFFFFEF7, lr;
	s5 =	simm.s32 $0xFFFFFFFF;
	p2 =	slt.u32 s8, $0xFFFFF086  }
0x1c: {  	p1 =	slt.u32 s9, $0xF7A;
	s5 =	simm.s32 @!p2 $0x0  }
0x1d: {  	s5 =	simm.s32 @p1 $0x1;
	p0 =	seq.s32 s7, s2  }
0x1e: {  	s7 =	smul.u32 @!p0 $0xF7A, s2;
	p2 =	seq.s32 @!p0 s5, $0x0  }
0x1f: {  	s9 =	smul.u32 $0xF7A, s1;
	s8 =	simm.s32 @!p0 $0x1BF5;
	p2 =	por !p2, p0  }
0x20: {  	[sflag:s8] =	ssyncset.s32 @!p0 $0xFFFFF086;
	s6 =	sadd.s32 @!p0 s3, s7;
	s7 =	simm.s32 @!p0 $0x108  }
0x21: {  	s3 =	sadd.s32 s3, s9;
	s6 =	sadd.s32 @!p0 $0x88, s6;
	s7 =	simm.s32 @p2 $0x1082  }
0x22: {  	[simem:s7], [sflag:s8] =	dma.local @!p0 [hbm:s6], $0xF7A  }
0x23: {  	s9 =	sor.u32 $0xD0000000, s2;
	s6 =	simm.s32 $0x108;
	_ =	swait.ge @!p0 [sflag:s8], $0x0  }
0x24: {  	s3 =	sadd.s32 $0x88, s3;
	s6 =	simm.s32 @!p1 $0x1082;
	[sflag:s4] =	ssyncset.s32 $0xFFFFF086  }
0x25: {  	[simem:s6], [sflag:s4] =	dma.local [hbm:s3], $0xF7A  }
0x26: {  	[smem:$0x3F9B] =	sst s1;
	(tag) =	ssettag s2;
	_ =	strace s9  }
0x27: {  	s1 =	sld [smem:$0x3FAB]  }
0x28: {  	s2 =	sld [smem:$0x3FAC]  }
0x29: {  	s4 =	sld [smem:$0x3FAE]  }
0x2a: {  	p0 =	seq.s32 s5, $0x0;
	s5 =	sld [smem:$0x3FAF]  }
0x2b: {  	s6 =	sld [smem:$0x3FB0]  }
0x2c: {  	s7 =	sld [smem:$0x3FB1]  }
0x2d: {  	s3 =	simm.s32 $0x108;
	s8 =	sld [smem:$0x3FB2]  }
0x2e: {  	s3 =	simm.s32 @!p0 $0x1082;
	s9 =	sld [smem:$0x3FB3]  }
0x2f: {  	lr =	sadd.s32 s0, s3;
	s0 =	sld [smem:$0x3FAA]  }
0x30: {  	s3 =	sld [smem:$0x3FAD]  }
0x31: {  	[smem:$0x3FB6] =	sst s10  }
0x32: {  	s10 =	sld [smem:$0x3FB4];
	_ =	sdelay $0x3  }
0x33: {  	p0 =	seq.s32 s10, $0x1;
	s10 =	sld [smem:$0x3FB6];
	_ =	sdelay $0x3  }
0x34: {  	[smem:$0x3FB6] =	sst s10  }
0x35: {  	s10 =	sld [smem:$0x3FB5];
	_ =	sdelay $0x3  }
0x36: {  	p1 =	seq.s32 s10, $0x1;
	s10 =	sld [smem:$0x3FB6];
	_ =	sdelay $0x3  }
0x37: {  	[smem:$0x3FB6] =	sst s10  }
0x38: {  	s10 =	sld [smem:$0x3FB7]  }
0x39: {  	_ = 	snop;
	(pc) =	sbr.ind lr, $3  }
0x3a: {  	_ = 	snop  }
0x3b: {  	_ = 	snop  }
0x3c: {  	p2 =	seq.s32 s10, $0x1;
	s10 =	sld [smem:$0x3FB6]  }
0x3d: {  	_ =	shalt  }
0x3e: {  	_ =	shalt  }
0x3f: {  	_ =	shalt  }
0x40: {  	_ =	shalt  }
0x41: {  	_ =	shalt  }
0x42: {  	_ =	shalt  }
0x43: {  	_ =	shalt  }
0x44: {  	_ =	shalt  }
0x45: {  	_ =	shalt  }
0x46: {  	_ =	shalt  }
0x47: {  	_ =	shalt  }
0x48: {  	_ =	shalt  }
0x49: {  	_ =	shalt  }
0x4a: {  	_ =	shalt  }
0x4b: {  	_ =	shalt  }
0x4c: {  	_ =	shalt  }
0x4d: {  	_ =	shalt  }
0x4e: {  	_ =	shalt  }
0x4f: {  	_ =	shalt  }
0x50: {  	_ =	shalt  }
0x51: {  	_ =	shalt  }
0x52: {  	_ =	shalt  }
0x53: {  	_ =	shalt  }
0x54: {  	_ =	shalt  }
0x55: {  	_ =	shalt  }
0x56: {  	_ =	shalt  }
0x57: {  	_ =	shalt  }
0x58: {  	_ =	shalt  }
0x59: {  	_ =	shalt  }
0x5a: {  	_ =	shalt  }
0x5b: {  	_ =	shalt  }
0x5c: {  	_ =	shalt  }
0x5d: {  	_ =	shalt  }
0x5e: {  	_ =	shalt  }
0x5f: {  	_ =	shalt  }
0x60: {  	_ =	shalt  }
0x61: {  	_ =	shalt  }
0x62: {  	_ =	shalt  }
0x63: {  	_ =	shalt  }
0x64: {  	_ =	shalt  }
0x65: {  	_ =	shalt  }
0x66: {  	_ =	shalt  }
0x67: {  	_ =	shalt  }
0x68: {  	_ =	shalt  }
0x69: {  	_ =	shalt  }
0x6a: {  	_ =	shalt  }
0x6b: {  	_ =	shalt  }
0x6c: {  	_ =	shalt  }
0x6d: {  	_ =	shalt  }
0x6e: {  	_ =	shalt  }
0x6f: {  	_ =	shalt  }
0x70: {  	_ =	shalt  }
0x71: {  	_ =	shalt  }
0x72: {  	_ =	shalt  }
0x73: {  	_ =	shalt  }
0x74: {  	_ =	shalt  }
0x75: {  	_ =	shalt  }
0x76: {  	_ =	shalt  }
0x77: {  	_ =	shalt  }
0x78: {  	_ =	shalt  }
0x79: {  	_ =	shalt  }
0x7a: {  	_ =	shalt  }
0x7b: {  	_ =	shalt  }
0x7c: {  	_ =	shalt  }
0x7d: {  	_ =	shalt  }
0x7e: {  	_ =	shalt  }
0x7f: {  	_ =	shalt  }
0x80: {  	_ =	shalt  }
0x81: {  	_ =	shalt  }
0x82: {  	_ =	shalt  }
0x83: {  	_ =	shalt  }
0x84: {  	_ =	shalt  }
0x85: {  	_ =	shalt  }
0x86: {  	_ =	shalt  }
0x87: {  	_ =	shalt  }
.Lfunc_end0:
.L_simem_size_0:
called_computation_lowered:
.L_overlay_start_0:
0x88: {  	s2 =	sld [smem:$0x3FD9]  }
0x89: {  	s3 =	sld [smem:$0x3FFE];
	_ =	sdelay $0x1  }
0x8a: {  	s1 =	srdreg.scid  }
0x8b: {  	s0 =	sand.u32 $0x1, s1  }
0x8c: {  	s14 =	sshll.u32 s0, $0xA;
	s2 =	sadd.s32 s3, s2  }
0x8d: {  	s2 =	sadd.s32 s2, s14  }
0x8e: {  	[smem:$0x3FC2] =	sst s2  }
0x8f: {  	_ = 	snop  }
0x90: {  	s2 =	sld [smem:$0x3FD0];
	_ =	sdelay $0x2  }
0x91: {  	s15 =	simm.s32 $0xA;
	s4 =	simm.s32 $0x10  }
0x92: {  	[smem:s4], [sflag:s15] =	dma.local [hbm:s2], $0x1  }
0x93: {  	_ =	swait.eq [sflag:s15], $0x1  }
0x94: {  	[sflag:s15] =	ssyncset.done $0x0  }
0x95: {  	[sflag:s15] =	ssyncadd.s32 $0xFFFFFFFF  }
0x96: {  	s16 =	sld [smem:$0x11];
	(tm) =	ssettm $0x1  }
0x97: {  	s17 =	sld [smem:$0x3FFB];
	_ =	sdelay $0x3  }
0x98: {  	_ =	strace s17  }
0x99: {  	s3 =	sld [smem:$0x3FFC];
	_ =	sdelay $0x3  }
0x9a: {  	_ =	strace s3  }
0x9b: {  	s3 =	sld [smem:$0x3FFD];
	_ =	sdelay $0x3  }
0x9c: {  	_ =	strace s3  }
0x9d: {  	_ =	strace $0x8FFFFFFF  }
0x9e: {  	s18 =	sld [smem:$0x3FDB];
	_ =	sdelay $0x1  }
0x9f: {  	s19 =	simm.s32 $_scs_section_size  }
0xa0: {  	s5 =	simm.s32 $_size__tile_overlayer_lowered;
	s6 =	simm.s32 $_tile_overlayer_lowered  }
0xa1: {  	s22 =	simm.s32 $0x1BFF;
	s21 =	sshll.u32 s6, $0x1;
	s3 =	sadd.s32 s19, s18  }
0xa2: {  	s7 =	simm.s32 $0x0;
	s20 =	sshll.u32 s5, $0x1;
	s5 =	sadd.s32 s21, s3  }
0xa3: {  	[timem:s7], [sflag:s22] =	dma.local [hbm:s5], s20  }
0xa4: {  	_ =	swait.ge [sflag:s22], s20  }
0xa5: {  	s4 =	ssub.s32 $0x0, s20;
	[sflag:s22] =	ssyncset.done $0x0  }
0xa6: {  	[sflag:s22] =	ssyncadd.s32 s4;
	_ =	sdelay $0x1  }
0xa7: {  	s23 =	simm.s32 $0x1B8B  }
0xa8: {  	_ =	swait.ge [sflag:s23], $0x1  }
0xa9: {  	[sflag:s23] =	ssyncset.done $0x0  }
0xaa: {  	s25 =	simm.s32 $0x1B8E;
	s24 =	sld [smem:$0x3FFE];
	[sflag:s23] =	ssyncadd.s32 $0xFFFFFFFF  }
0xab: {  	s26 =	simm.s32 $execute0_lowered;
	[smem:$0x3FD2] =	sst s25  }
0xac: {  	s5 =	sshll.u32 s26, $0x1;
	_ =	strace $0x80000046;
	[dreg:$0x1] =	wrdreg $0xFFFFFFFF  }
0xad: {  	s28 =	simm.s32 $_size_execute0_lowered;
	s3 =	sadd.s32 s3, s5;
	[dreg:$0x0] =	wrdreg $0x0  }
0xae: {  	s5 =	sshll.u32 s28, $0x1;
	[dreg:$0x2] =	wrdreg s3  }
0xaf: {  	[dreg:$0x3] =	wrdreg s5  }
0xb0: {  	[dreg:$0x4] =	wrdreg $0xC0  }
0xb1: {  	_ =	task [dreg:s7], $0x5FFFF  }
0xb2: {  	[dreg:$0x1] =	wrdreg $0xFFFFFFFF  }
0xb3: {  	[dreg:$0x0] =	wrdreg $0x60  }
0xb4: {  	[dreg:$0x2] =	wrdreg s16  }
0xb5: {  	[dreg:$0x3] =	wrdreg s24  }
0xb6: {  	[dreg:$0x4] =	wrdreg $0x9  }
0xb7: {  	_ =	task.clear_ibuf [dreg:s7], $0x5FFFF;
	_ =	strace $0x90000046  }
0xb8: {  	s29 =	simm.s32 $0x9;
	_ =	strace $0x80000048  }
0xb9: {  	_ =	swait.ge [sflag:s29], $0x1  }
0xba: {  	[sflag:s29] =	ssyncadd.s32 $0xFFFFFFFF  }
0xbb: {  	_ =	strace $0x90000048  }
0xbc: {  	_ =	sfence  }
0xbd: {  	s30 =	sld [smem:$0x0];
	_ =	sdelay $0x2  }
0xbe: {  	s31 =	sshll.u32 s1, $0xD;
	s1 =	sshrl.u32 s1, $0x2  }
0xbf: {  	s3 =	sand.u32 $0x4000, s31;
	s1 =	sadd.s32 s1, s30  }
0xc0: {  	s0 =	sor.u32 s3, s0;
	s1 =	sshll.u32 s1, $0x11  }
0xc1: {  	s0 =	sor.u32 s1, s0  }
0xc2: {  	s0 =	sadd.s32 $0x8F2B, s0  }
0xc3: {  	[sflag:s0] =	ssyncadd.remote.s32 $0x1  }
0xc4: {  	_ =	sfence.sel $0xFFFF  }
0xc5: {  	[dreg:$0x0] =	wrdreg $0xFFFFFFFF;
	(pc) =	sbr.abs _section_cstart, $3  }
0xc6: {  	[dreg:$0x1] =	wrdreg $0xFFFFFFFF  }
0xc7: {  	_ =	task.clear_ibuf [dreg:s7], $0x2FFFF;
	_ =	strace $0x9FFFFFFF  }
0xc8: {  	(tm) =	ssettm $0x7FFFFFFF  }
0xc9: {  	_ =	shalt  }
tec
execute0_lowered:
.L_overlay_start_1:
0x0: {  	(tag) =	ssettag $0x1  }
0x1: {  	s6 =	rddreg [dreg:$0x0]  }
0x2: {  	s4 =	rddreg [dreg:$0x1]  }
0x3: {  	s0 =	rddreg [dreg:$0x2];
	s2 =	simm.s32 $0x0;
	s1 =	stileid.u32  }
0x4: {  	s3 =	srdreg.scid;
	[smem:$0x7FF] =	sst s2  }
0x5: {  	s5 =	sshll.u32 s1, $0x10;
	s7 =	sand.u32 $0x1, s3;
	s3 =	sadd.s32 $0x200, s4  }
0x6: {  	s9 =	sshll.u32 s1, $0xC;
	_ =	strace $0x80000047;
	s5 =	sadd.s32 s5, s4  }
0x7: {  	s29 =	ssub.s32 $0x2, s7;
	s10 =	sshll.u32 s7, $0xB;
	s7 =	sshll.u32 s7, $0xF  }
0x8: {  	s8 =	sshrl.u32 s29, $0x1;
	s30 =	sor.u32 s10, s9;
	s5 =	sadd.s32 s7, s5  }
0x9: {  	s7 =	simm.s32 $0x2;
	s9 =	simm.s32 $0x1;
	s10 =	simm.s32 $0x0  }
0xa: {  	s4 =	ssub.s32 s29, s8;
	s31 =	sshrl.u32 s30, $0x3;
	s5 =	sadd.s32 $0x40200, s5  }
0xb: {  	s8 =	simm.s32 $0x80;
	s4 =	smax.u32 s4, $0x1;
	s6 =	sadd.s32 s31, s6  }
.LBB2_1:
0xc: {  	s11 =	sadd.s32 $0x0, s6  }
0xd: {  	[tilespmem:s2], [sflag:$0x2] =	stream.linear.gather [hbm4b:s11+s2], $0x80, $0x38;
	[tilespmem:$0x4080] =	vst v63  }
0xe: {  	_ =	swait.ge [sflag:s7], $0x80  }
0xf: {  	[sflag:s7] =	ssyncset.done $0x0  }
0x10: {  	[sflag:s7] =	ssyncadd.s32 $0xFFFFFF80  }
0x11: {  	[tilespmem:s8], [sflag:$0x1] =	stream.indirect.gather [hbm4b:s3+s8], $0x80, s2, s8, $0xb8;
	[tilespmem:$0x4080] =	vst v63  }
0x12: {  	_ =	swait.ge [sflag:s9], $0x4000  }
0x13: {  	[sflag:s9] =	ssyncset.done $0x0  }
0x14: {  	[sflag:s9] =	ssyncadd.s32 $0xFFFFC000  }
0x15: {  	[hbm4b:s5+s2] =	stream.linear.scatter [tilespmem:s8], [sflag:$0x2], $0x4000, $0x38;
	[tilespmem:$0x4080] =	vst v63  }
0x16: {  	s12 =	simm.s32 $0x10;
	_ =	swait.ge [sflag:s7], $0x4000  }
0x17: {  	s13 =	simm.s32 $0x20;
	s11 =	sadd.s32 $0x800, s5;
	[sflag:s7] =	ssyncset.done $0x0  }
.LBB2_2:
0x18: {  	s14 =	sadd.s32 s12, s6  }
0x19: {  	[sflag:s7] =	ssyncadd.s32 $0xFFFFC000;
	s12 =	smov.u32 s13;
	s15 =	sadd.s32 $0x10, s13  }
0x1a: {  	[tilespmem:s2], [sflag:$0x2] =	stream.linear.gather [hbm4b:s14+s2], $0x80, $0x38;
	[tilespmem:$0x4080] =	vst v63  }
0x1b: {  	p0 =	sne.s32 s13, $0xF0;
	_ =	swait.ge [sflag:s7], $0x80  }
0x1c: {  	[sflag:s7] =	ssyncset.done $0x0  }
0x1d: {  	[sflag:s7] =	ssyncadd.s32 $0xFFFFFF80  }
0x1e: {  	[tilespmem:s8], [sflag:$0x1] =	stream.indirect.gather [hbm4b:s3+s8], $0x80, s2, s8, $0xb8;
	[tilespmem:$0x4080] =	vst v63  }
0x1f: {  	_ =	swait.ge [sflag:s9], $0x4000  }
.Ltmp0:
0x20: {  	[sflag:s9] =	ssyncset.done $0x0;
	(pc) =	sbr.rel @p0 .LBB2_2-.Ltmp0, $4  }
0x21: {  	[sflag:s9] =	ssyncadd.s32 $0xFFFFC000  }
0x22: {  	[hbm4b:s11+s2] =	stream.linear.scatter [tilespmem:s8], [sflag:$0x2], $0x4000, $0x38;
	[tilespmem:$0x4080] =	vst v63  }
0x23: {  	_ =	swait.ge [sflag:s7], $0x4000  }
0x24: {  	s13 =	smov.u32 s15;
	s11 =	sadd.s32 $0x800, s11;
	[sflag:s7] =	ssyncset.done $0x0  }
0x25: {  	s12 =	sadd.s32 s12, s6;
	[sflag:s7] =	ssyncadd.s32 $0xFFFFC000  }
0x26: {  	[tilespmem:s2], [sflag:$0x2] =	stream.linear.gather [hbm4b:s12+s2], $0x80, $0x38;
	[tilespmem:$0x4080] =	vst v63  }
0x27: {  	_ =	swait.ge [sflag:s7], $0x80  }
0x28: {  	[sflag:s7] =	ssyncset.done $0x0  }
0x29: {  	[sflag:s7] =	ssyncadd.s32 $0xFFFFFF80  }
0x2a: {  	[tilespmem:s8], [sflag:$0x1] =	stream.indirect.gather [hbm4b:s3+s8], $0x80, s2, s8, $0xb8;
	[tilespmem:$0x4080] =	vst v63  }
0x2b: {  	s10 =	sadd.s32 $0x1, s10;
	_ =	swait.ge [sflag:s9], $0x4000  }
0x2c: {  	p0 =	sne.s32 s10, s4;
	[sflag:s9] =	ssyncset.done $0x0  }
.Ltmp1:
0x2d: {  	[sflag:s9] =	ssyncadd.s32 $0xFFFFC000;
	(pc) =	sbr.rel @p0 .LBB2_1-.Ltmp1, $4  }
0x2e: {  	[hbm4b:s11+s2] =	stream.linear.scatter [tilespmem:s8], [sflag:$0x2], $0x4000, $0x38;
	[tilespmem:$0x4080] =	vst v63  }
0x2f: {  	_ =	swait.ge [sflag:s7], $0x4000  }
0x30: {  	[sflag:s7] =	ssyncset.done $0x0  }
0x31: {  	[sflag:s7] =	ssyncadd.s32 $0xFFFFC000  }
0x32: {  	_ =	sfence.sel $0x180000  }
0x33: {  	[bflag:$0x0] =	sbarrier.arrive $0xFFFF  }
0x34: {  	p0 =	sne.s32 s1, $0x0;
	_ =	strace $0x90000047  }
0x35: {  	s0 =	sadd.s32 @!p0 $0x100000, s0;
	[bflag:$0x2] =	sbarrier.arrive $0xFFFF  }
0x36: {  	[sflag:s0] =	ssyncadd.tile.s32 @!p0 $0x1;
	_ =	shalt  }
.Lfunc_end2:
_tile_overlayer_lowered:
.L_overlay_start_2:
0x37: {  	(tag) =	ssettag $0x2  }
0x38: {  	s0 =	rddreg [dreg:$0x0];
	s2 =	stileid.u32  }
0x39: {  	s1 =	rddreg [dreg:$0x1];
	p0 =	sne.s32 s2, $0x0  }
0x3a: {  	s3 =	rddreg [dreg:$0x2];
	[bflag:$0x3] =	sbarrier.arrive $0xFFFF;
	s2 =	simm.s32 @!p0 $0x1C02  }
0x3b: {  	[timem:s3], [sflag:s2] =	dma.local @!p0 [hbm:s0], s1  }
0x3c: {  	s0 =	simm.s32 @!p0 $0x2  }
0x3d: {  	_ =	swait.ge @!p0 [sflag:s0], s1  }
0x3e: {  	s1 =	ssub.s32 @!p0 $0x0, s1;
	[sflag:s0] =	ssyncset.done @!p0 $0x0  }
0x3f: {  	[sflag:s0] =	ssyncadd.s32 @!p0 s1  }
0x40: {  	[bflag:$0x3] =	sbarrier.arrive $0xFFFF  }
0x41: {  	_ =	shalt  }

</sc_bundles>
